<compile_context>
chip_gen: v7x
topology: tpu7x:2x2x1
jax: 0.10.2.dev20260603
libtpu: 0.0.44.dev20260713+nightly
codegen_flags: <defaults>
</compile_context>

<pallas_src>
import functools
import jax
import jax.numpy as jnp
from jax import lax
from jax.experimental import pallas as pl
from jax.experimental.pallas import tpu as pltpu
from jax.experimental.pallas import tpu_sc as plsc

_B, _F, _D = 4096, 100, 64
_K = 50
_SB = 4
_NU = 25


@functools.partial(
    pl.kernel,
    mesh=plsc.VectorSubcoreMesh(core_axis_name="c", subcore_axis_name="s"),
    out_type=jax.ShapeDtypeStruct((_K, _D, _B), jnp.float32),
    scratch_types=[
        pltpu.VMEM((_SB, _B), jnp.float32),
        pltpu.VMEM((_SB, _B), jnp.float32),
        pltpu.SemaphoreType.DMA,
        pltpu.SemaphoreType.DMA,
        pltpu.SemaphoreType.DMA,
        pltpu.SemaphoreType.DMA,
    ],
)
def _masked_compact(in_hbm, out_hbm, buf0, buf1, si0, si1, so0, so1):
    wid = lax.axis_index("s") * 2 + lax.axis_index("c")
    bi = _SB * (wid % 16)
    p = wid // 16

    bufs = (buf0, buf1)
    isems = (si0, si1)
    osems = (so0, so1)

    def start_in(u):
        k = u % 2
        return pltpu.async_copy(
            in_hbm.at[2 * p + 4 * u, pl.ds(bi, _SB), :], bufs[k], isems[k]
        )

    def start_out(u):
        k = u % 2
        return pltpu.async_copy(
            bufs[k], out_hbm.at[p + 2 * u, pl.ds(bi, _SB), :], osems[k]
        )

    ins = {0: start_in(0)}
    outs = {}
    for u in range(_NU):
        k = u % 2
        ins[u].wait()
        if u + 1 < _NU:
            if u - 1 >= 0:
                outs[u - 1].wait()
            ins[u + 1] = start_in(u + 1)
        outs[u] = start_out(u)
    outs[_NU - 2].wait()
    outs[_NU - 1].wait()


def kernel(inputs):
    xt = jnp.transpose(inputs, (1, 2, 0))
    yt = _masked_compact(xt)
    return jnp.transpose(yt, (2, 0, 1))

# --- scband reference (transcript-rebuilt; emitter-appended) ---
"""Pipeline reference for scband-gen-mask-layer-3487513444658 (READ-ONLY COPY).

The authoritative reference and input builder live on the scoring server;
editing this copy changes nothing except your own understanding.
"""

import jax, jax.numpy as jnp
import numpy as np

# Fixed boolean mask over axis=1 (100 fields, alternating keep pattern -> 50 kept)
_MASK = (np.arange(100) % 2 == 0)
_KEEP_IDX = np.nonzero(_MASK)[0].astype(np.int32)  # 50 indices


def setup_inputs(seed: int = 0) -> dict:
    key = jax.random.key(seed)
    inputs = jax.random.normal(key, (4096, 100, 64), dtype=jnp.float32)
    return {"inputs": inputs}


def reference(inputs):
    # tf.boolean_mask(inputs, mask, axis=1) == gather of the True indices along axis 1
    idx = jnp.asarray(_KEEP_IDX)
    return jnp.take(inputs, idx, axis=1)

if __name__ == "__main__":
    import jax
    _d = setup_inputs()
    print(jax.jit(kernel)(*tuple(_d.values())))

</pallas_src>

<mosaic_0001>
#map = affine_map<(d0, d1) -> (0, 0, 0)>
module attributes {stable_mosaic.version = 14 : i64} {
  func.func @_masked_compact(%arg0: i32, %arg1: i32, %arg2: memref<100x64x4096xf32, #tpu.memory_space<hbm>>, %arg3: memref<50x64x4096xf32, #tpu.memory_space<hbm>>, %arg4: memref<4x4096xf32, #tpu.memory_space<vmem>>, %arg5: memref<4x4096xf32, #tpu.memory_space<vmem>>, %arg6: memref<!tpu.dma_semaphore, #tpu.memory_space<semaphore_mem>>, %arg7: memref<!tpu.dma_semaphore, #tpu.memory_space<semaphore_mem>>, %arg8: memref<!tpu.dma_semaphore, #tpu.memory_space<semaphore_mem>>, %arg9: memref<!tpu.dma_semaphore, #tpu.memory_space<semaphore_mem>>) attributes {dimension_semantics = [#tpu.dimension_semantics<core_parallel>, #tpu.dimension_semantics<subcore_parallel>], iteration_bounds = array<i64: 2, 16>, scalar_prefetch = 0 : i64, scratch_operands = 6 : i64, tpu.core_type = #tpu.core_type<sc_vector_subcore>, window_params = [{transform_indices = #map}, {transform_indices = #map}]} {
    %mul3A = arith.constant 2 : i32
    %mul3A_0 = arith.muli %arg1, %mul3A : i32
    %add3A = arith.addi %mul3A_0, %arg0 : i32
    %jit3A = arith.constant 16 : i32
    %eq3A = arith.constant 0 : i32
    %eq3A_1 = arith.cmpi eq, %jit3A, %eq3A : i32
    %jit3A_2 = arith.constant 1 : i32
    %select_n3A = arith.select %eq3A_1, %jit3A_2, %jit3A : i32
    %rem3A = arith.remsi %add3A, %select_n3A : i32
    %ne3A = arith.constant 0 : i32
    %ne3A_3 = arith.cmpi ne, %rem3A, %ne3A : i32
    %lt3A = arith.constant 0 : i32
    %lt3A_4 = arith.cmpi slt, %rem3A, %lt3A : i32
    %lt3A_5 = arith.constant 0 : i32
    %lt3A_6 = arith.cmpi slt, %select_n3A, %lt3A_5 : i32
    %ne3A_7 = arith.xori %lt3A_4, %lt3A_6 : i1
    %and3A = arith.andi %ne3A_7, %ne3A_3 : i1
    %add3A_8 = arith.addi %rem3A, %select_n3A : i32
    %select_n3A_9 = arith.select %and3A, %add3A_8, %rem3A : i32
    %mul3A_10 = arith.constant 4 : i32
    %mul3A_11 = arith.muli %mul3A_10, %select_n3A_9 : i32
    %jit3A_12 = arith.constant 16 : i32
    %div3A = arith.divsi %add3A, %jit3A_12 : i32
    %sign3A = arith.constant 0 : i32
    %sign3A_13 = arith.cmpi sgt, %add3A, %sign3A : i32
    %sign3A_14 = arith.extui %sign3A_13 : i1 to i32
    %sign3A_15 = arith.constant 0 : i32
    %sign3A_16 = arith.cmpi slt, %add3A, %sign3A_15 : i32
    %sign3A_17 = arith.extui %sign3A_16 : i1 to i32
    %sign3A_18 = arith.subi %sign3A_14, %sign3A_17 : i32
    %sign3A_19 = arith.constant 0 : i32
    %sign3A_20 = arith.cmpi sgt, %jit3A_12, %sign3A_19 : i32
    %sign3A_21 = arith.extui %sign3A_20 : i1 to i32
    %sign3A_22 = arith.constant 0 : i32
    %sign3A_23 = arith.cmpi slt, %jit3A_12, %sign3A_22 : i32
    %sign3A_24 = arith.extui %sign3A_23 : i1 to i32
    %sign3A_25 = arith.subi %sign3A_21, %sign3A_24 : i32
    %ne3A_26 = arith.cmpi ne, %sign3A_18, %sign3A_25 : i32
    %rem3A_27 = arith.remsi %add3A, %jit3A_12 : i32
    %ne3A_28 = arith.constant 0 : i32
    %ne3A_29 = arith.cmpi ne, %rem3A_27, %ne3A_28 : i32
    %and3A_30 = arith.andi %ne3A_26, %ne3A_29 : i1
    %sub3A = arith.constant 1 : i32
    %sub3A_31 = arith.subi %div3A, %sub3A : i32
    %select_n3A_32 = arith.select %and3A_30, %sub3A_31, %div3A : i32
    %mul3A_33 = arith.constant 2 : i32
    %mul3A_34 = arith.muli %mul3A_33, %select_n3A_32 : i32
    %add3A_35 = arith.constant 0 : i32
    %add3A_36 = arith.addi %mul3A_34, %add3A_35 : i32
    %dma_start3A = arith.constant 0 : i32
    %dma_start3A_37 = tpu.memref_slice %arg2[%add3A_36, %mul3A_11, %dma_start3A] : memref<100x64x4096xf32, #tpu.memory_space<hbm>> -> memref<1x4x4096xf32, #tpu.memory_space<hbm>>
    %dma_start3A_38 = tpu.memref_squeeze %dma_start3A_37 : memref<1x4x4096xf32, #tpu.memory_space<hbm>> -> memref<4x4096xf32, #tpu.memory_space<hbm>>
    %dma_start3A_39 = arith.constant 0 : i32
    %dma_start3A_40 = tpu.memref_slice %arg2[%add3A_36, %mul3A_11, %dma_start3A_39] : memref<100x64x4096xf32, #tpu.memory_space<hbm>> -> memref<1x4x4096xf32, #tpu.memory_space<hbm>>
    %dma_start3A_41 = tpu.memref_squeeze %dma_start3A_40 : memref<1x4x4096xf32, #tpu.memory_space<hbm>> -> memref<4x4096xf32, #tpu.memory_space<hbm>>
    tpu.enqueue_dma source(%dma_start3A_41 : memref<4x4096xf32, #tpu.memory_space<hbm>>) target(%arg4 : memref<4x4096xf32, #tpu.memory_space<vmem>>) target_semaphore(%arg6 : memref<!tpu.dma_semaphore, #tpu.memory_space<semaphore_mem>>)
    %dma_wait3A = arith.constant 0 : i32
    %dma_wait3A_42 = tpu.memref_slice %arg2[%add3A_36, %mul3A_11, %dma_wait3A] : memref<100x64x4096xf32, #tpu.memory_space<hbm>> -> memref<1x4x4096xf32, #tpu.memory_space<hbm>>
    %dma_wait3A_43 = tpu.memref_squeeze %dma_wait3A_42 : memref<1x4x4096xf32, #tpu.memory_space<hbm>> -> memref<4x4096xf32, #tpu.memory_space<hbm>>
    %dma_wait3A_44 = arith.constant 0 : i32
    %dma_wait3A_45 = tpu.memref_slice %arg2[%add3A_36, %mul3A_11, %dma_wait3A_44] : memref<100x64x4096xf32, #tpu.memory_space<hbm>> -> memref<1x4x4096xf32, #tpu.memory_space<hbm>>
    %dma_wait3A_46 = tpu.memref_squeeze %dma_wait3A_45 : memref<1x4x4096xf32, #tpu.memory_space<hbm>> -> memref<4x4096xf32, #tpu.memory_space<hbm>>
    tpu.wait_dma2 semaphore(%arg6 : memref<!tpu.dma_semaphore, #tpu.memory_space<semaphore_mem>>) src(%dma_wait3A_46 : memref<4x4096xf32, #tpu.memory_space<hbm>>) dst(%arg4 : memref<4x4096xf32, #tpu.memory_space<vmem>>)
    %mul3A_47 = arith.constant 2 : i32
    %mul3A_48 = arith.muli %mul3A_47, %select_n3A_32 : i32
    %add3A_49 = arith.constant 4 : i32
    %add3A_50 = arith.addi %mul3A_48, %add3A_49 : i32
    %dma_start3A_51 = arith.constant 0 : i32
    %dma_start3A_52 = tpu.memref_slice %arg2[%add3A_50, %mul3A_11, %dma_start3A_51] : memref<100x64x4096xf32, #tpu.memory_space<hbm>> -> memref<1x4x4096xf32, #tpu.memory_space<hbm>>
    %dma_start3A_53 = tpu.memref_squeeze %dma_start3A_52 : memref<1x4x4096xf32, #tpu.memory_space<hbm>> -> memref<4x4096xf32, #tpu.memory_space<hbm>>
    %dma_start3A_54 = arith.constant 0 : i32
    %dma_start3A_55 = tpu.memref_slice %arg2[%add3A_50, %mul3A_11, %dma_start3A_54] : memref<100x64x4096xf32, #tpu.memory_space<hbm>> -> memref<1x4x4096xf32, #tpu.memory_space<hbm>>
    %dma_start3A_56 = tpu.memref_squeeze %dma_start3A_55 : memref<1x4x4096xf32, #tpu.memory_space<hbm>> -> memref<4x4096xf32, #tpu.memory_space<hbm>>
    tpu.enqueue_dma source(%dma_start3A_56 : memref<4x4096xf32, #tpu.memory_space<hbm>>) target(%arg5 : memref<4x4096xf32, #tpu.memory_space<vmem>>) target_semaphore(%arg7 : memref<!tpu.dma_semaphore, #tpu.memory_space<semaphore_mem>>)
    %add3A_57 = arith.constant 0 : i32
    %add3A_58 = arith.addi %select_n3A_32, %add3A_57 : i32
    %dma_start3A_59 = arith.constant 0 : i32
    %dma_start3A_60 = tpu.memref_slice %arg3[%add3A_58, %mul3A_11, %dma_start3A_59] : memref<50x64x4096xf32, #tpu.memory_space<hbm>> -> memref<1x4x4096xf32, #tpu.memory_space<hbm>>
    %dma_start3A_61 = tpu.memref_squeeze %dma_start3A_60 : memref<1x4x4096xf32, #tpu.memory_space<hbm>> -> memref<4x4096xf32, #tpu.memory_space<hbm>>
    %dma_start3A_62 = arith.constant 0 : i32
    %dma_start3A_63 = tpu.memref_slice %arg3[%add3A_58, %mul3A_11, %dma_start3A_62] : memref<50x64x4096xf32, #tpu.memory_space<hbm>> -> memref<1x4x4096xf32, #tpu.memory_space<hbm>>
    %dma_start3A_64 = tpu.memref_squeeze %dma_start3A_63 : memref<1x4x4096xf32, #tpu.memory_space<hbm>> -> memref<4x4096xf32, #tpu.memory_space<hbm>>
    tpu.enqueue_dma source(%arg4 : memref<4x4096xf32, #tpu.memory_space<vmem>>) target(%dma_start3A_64 : memref<4x4096xf32, #tpu.memory_space<hbm>>) target_semaphore(%arg8 : memref<!tpu.dma_semaphore, #tpu.memory_space<semaphore_mem>>)
    %dma_wait3A_65 = arith.constant 0 : i32
    %dma_wait3A_66 = tpu.memref_slice %arg2[%add3A_50, %mul3A_11, %dma_wait3A_65] : memref<100x64x4096xf32, #tpu.memory_space<hbm>> -> memref<1x4x4096xf32, #tpu.memory_space<hbm>>
    %dma_wait3A_67 = tpu.memref_squeeze %dma_wait3A_66 : memref<1x4x4096xf32, #tpu.memory_space<hbm>> -> memref<4x4096xf32, #tpu.memory_space<hbm>>
    %dma_wait3A_68 = arith.constant 0 : i32
    %dma_wait3A_69 = tpu.memref_slice %arg2[%add3A_50, %mul3A_11, %dma_wait3A_68] : memref<100x64x4096xf32, #tpu.memory_space<hbm>> -> memref<1x4x4096xf32, #tpu.memory_space<hbm>>
    %dma_wait3A_70 = tpu.memref_squeeze %dma_wait3A_69 : memref<1x4x4096xf32, #tpu.memory_space<hbm>> -> memref<4x4096xf32, #tpu.memory_space<hbm>>
    tpu.wait_dma2 semaphore(%arg7 : memref<!tpu.dma_semaphore, #tpu.memory_space<semaphore_mem>>) src(%dma_wait3A_70 : memref<4x4096xf32, #tpu.memory_space<hbm>>) dst(%arg5 : memref<4x4096xf32, #tpu.memory_space<vmem>>)
    %dma_wait3A_71 = arith.constant 0 : i32
    %dma_wait3A_72 = tpu.memref_slice %arg3[%add3A_58, %mul3A_11, %dma_wait3A_71] : memref<50x64x4096xf32, #tpu.memory_space<hbm>> -> memref<1x4x4096xf32, #tpu.memory_space<hbm>>
    %dma_wait3A_73 = tpu.memref_squeeze %dma_wait3A_72 : memref<1x4x4096xf32, #tpu.memory_space<hbm>> -> memref<4x4096xf32, #tpu.memory_space<hbm>>
    %dma_wait3A_74 = arith.constant 0 : i32
    %dma_wait3A_75 = tpu.memref_slice %arg3[%add3A_58, %mul3A_11, %dma_wait3A_74] : memref<50x64x4096xf32, #tpu.memory_space<hbm>> -> memref<1x4x4096xf32, #tpu.memory_space<hbm>>
    %dma_wait3A_76 = tpu.memref_squeeze %dma_wait3A_75 : memref<1x4x4096xf32, #tpu.memory_space<hbm>> -> memref<4x4096xf32, #tpu.memory_space<hbm>>
    tpu.wait_dma2 semaphore(%arg8 : memref<!tpu.dma_semaphore, #tpu.memory_space<semaphore_mem>>) src(%arg4 : memref<4x4096xf32, #tpu.memory_space<vmem>>) dst(%dma_wait3A_76 : memref<4x4096xf32, #tpu.memory_space<hbm>>)
    %mul3A_77 = arith.constant 2 : i32
    %mul3A_78 = arith.muli %mul3A_77, %select_n3A_32 : i32
    %add3A_79 = arith.constant 8 : i32
    %add3A_80 = arith.addi %mul3A_78, %add3A_79 : i32
    %dma_start3A_81 = arith.constant 0 : i32
    %dma_start3A_82 = tpu.memref_slice %arg2[%add3A_80, %mul3A_11, %dma_start3A_81] : memref<100x64x4096xf32, #tpu.memory_space<hbm>> -> memref<1x4x4096xf32, #tpu.memory_space<hbm>>
    %dma_start3A_83 = tpu.memref_squeeze %dma_start3A_82 : memref<1x4x4096xf32, #tpu.memory_space<hbm>> -> memref<4x4096xf32, #tpu.memory_space<hbm>>
    %dma_start3A_84 = arith.constant 0 : i32
    %dma_start3A_85 = tpu.memref_slice %arg2[%add3A_80, %mul3A_11, %dma_start3A_84] : memref<100x64x4096xf32, #tpu.memory_space<hbm>> -> memref<1x4x4096xf32, #tpu.memory_space<hbm>>
    %dma_start3A_86 = tpu.memref_squeeze %dma_start3A_85 : memref<1x4x4096xf32, #tpu.memory_space<hbm>> -> memref<4x4096xf32, #tpu.memory_space<hbm>>
    tpu.enqueue_dma source(%dma_start3A_86 : memref<4x4096xf32, #tpu.memory_space<hbm>>) target(%arg4 : memref<4x4096xf32, #tpu.memory_space<vmem>>) target_semaphore(%arg6 : memref<!tpu.dma_semaphore, #tpu.memory_space<semaphore_mem>>)
    %add3A_87 = arith.constant 2 : i32
    %add3A_88 = arith.addi %select_n3A_32, %add3A_87 : i32
    %dma_start3A_89 = arith.constant 0 : i32
    %dma_start3A_90 = tpu.memref_slice %arg3[%add3A_88, %mul3A_11, %dma_start3A_89] : memref<50x64x4096xf32, #tpu.memory_space<hbm>> -> memref<1x4x4096xf32, #tpu.memory_space<hbm>>
    %dma_start3A_91 = tpu.memref_squeeze %dma_start3A_90 : memref<1x4x4096xf32, #tpu.memory_space<hbm>> -> memref<4x4096xf32, #tpu.memory_space<hbm>>
    %dma_start3A_92 = arith.constant 0 : i32
    %dma_start3A_93 = tpu.memref_slice %arg3[%add3A_88, %mul3A_11, %dma_start3A_92] : memref<50x64x4096xf32, #tpu.memory_space<hbm>> -> memref<1x4x4096xf32, #tpu.memory_space<hbm>>
    %dma_start3A_94 = tpu.memref_squeeze %dma_start3A_93 : memref<1x4x4096xf32, #tpu.memory_space<hbm>> -> memref<4x4096xf32, #tpu.memory_space<hbm>>
    tpu.enqueue_dma source(%arg5 : memref<4x4096xf32, #tpu.memory_space<vmem>>) target(%dma_start3A_94 : memref<4x4096xf32, #tpu.memory_space<hbm>>) target_semaphore(%arg9 : memref<!tpu.dma_semaphore, #tpu.memory_space<semaphore_mem>>)
    %dma_wait3A_95 = arith.constant 0 : i32
    %dma_wait3A_96 = tpu.memref_slice %arg2[%add3A_80, %mul3A_11, %dma_wait3A_95] : memref<100x64x4096xf32, #tpu.memory_space<hbm>> -> memref<1x4x4096xf32, #tpu.memory_space<hbm>>
    %dma_wait3A_97 = tpu.memref_squeeze %dma_wait3A_96 : memref<1x4x4096xf32, #tpu.memory_space<hbm>> -> memref<4x4096xf32, #tpu.memory_space<hbm>>
    %dma_wait3A_98 = arith.constant 0 : i32
    %dma_wait3A_99 = tpu.memref_slice %arg2[%add3A_80, %mul3A_11, %dma_wait3A_98] : memref<100x64x4096xf32, #tpu.memory_space<hbm>> -> memref<1x4x4096xf32, #tpu.memory_space<hbm>>
    %dma_wait3A_100 = tpu.memref_squeeze %dma_wait3A_99 : memref<1x4x4096xf32, #tpu.memory_space<hbm>> -> memref<4x4096xf32, #tpu.memory_space<hbm>>
    tpu.wait_dma2 semaphore(%arg6 : memref<!tpu.dma_semaphore, #tpu.memory_space<semaphore_mem>>) src(%dma_wait3A_100 : memref<4x4096xf32, #tpu.memory_space<hbm>>) dst(%arg4 : memref<4x4096xf32, #tpu.memory_space<vmem>>)
    %dma_wait3A_101 = arith.constant 0 : i32
    %dma_wait3A_102 = tpu.memref_slice %arg3[%add3A_88, %mul3A_11, %dma_wait3A_101] : memref<50x64x4096xf32, #tpu.memory_space<hbm>> -> memref<1x4x4096xf32, #tpu.memory_space<hbm>>
    %dma_wait3A_103 = tpu.memref_squeeze %dma_wait3A_102 : memref<1x4x4096xf32, #tpu.memory_space<hbm>> -> memref<4x4096xf32, #tpu.memory_space<hbm>>
    %dma_wait3A_104 = arith.constant 0 : i32
    %dma_wait3A_105 = tpu.memref_slice %arg3[%add3A_88, %mul3A_11, %dma_wait3A_104] : memref<50x64x4096xf32, #tpu.memory_space<hbm>> -> memref<1x4x4096xf32, #tpu.memory_space<hbm>>
    %dma_wait3A_106 = tpu.memref_squeeze %dma_wait3A_105 : memref<1x4x4096xf32, #tpu.memory_space<hbm>> -> memref<4x4096xf32, #tpu.memory_space<hbm>>
    tpu.wait_dma2 semaphore(%arg9 : memref<!tpu.dma_semaphore, #tpu.memory_space<semaphore_mem>>) src(%arg5 : memref<4x4096xf32, #tpu.memory_space<vmem>>) dst(%dma_wait3A_106 : memref<4x4096xf32, #tpu.memory_space<hbm>>)
    %mul3A_107 = arith.constant 2 : i32
    %mul3A_108 = arith.muli %mul3A_107, %select_n3A_32 : i32
    %add3A_109 = arith.constant 12 : i32
    %add3A_110 = arith.addi %mul3A_108, %add3A_109 : i32
    %dma_start3A_111 = arith.constant 0 : i32
    %dma_start3A_112 = tpu.memref_slice %arg2[%add3A_110, %mul3A_11, %dma_start3A_111] : memref<100x64x4096xf32, #tpu.memory_space<hbm>> -> memref<1x4x4096xf32, #tpu.memory_space<hbm>>
    %dma_start3A_113 = tpu.memref_squeeze %dma_start3A_112 : memref<1x4x4096xf32, #tpu.memory_space<hbm>> -> memref<4x4096xf32, #tpu.memory_space<hbm>>
    %dma_start3A_114 = arith.constant 0 : i32
    %dma_start3A_115 = tpu.memref_slice %arg2[%add3A_110, %mul3A_11, %dma_start3A_114] : memref<100x64x4096xf32, #tpu.memory_space<hbm>> -> memref<1x4x4096xf32, #tpu.memory_space<hbm>>
    %dma_start3A_116 = tpu.memref_squeeze %dma_start3A_115 : memref<1x4x4096xf32, #tpu.memory_space<hbm>> -> memref<4x4096xf32, #tpu.memory_space<hbm>>
    tpu.enqueue_dma source(%dma_start3A_116 : memref<4x4096xf32, #tpu.memory_space<hbm>>) target(%arg5 : memref<4x4096xf32, #tpu.memory_space<vmem>>) target_semaphore(%arg7 : memref<!tpu.dma_semaphore, #tpu.memory_space<semaphore_mem>>)
    %add3A_117 = arith.constant 4 : i32
    %add3A_118 = arith.addi %select_n3A_32, %add3A_117 : i32
    %dma_start3A_119 = arith.constant 0 : i32
    %dma_start3A_120 = tpu.memref_slice %arg3[%add3A_118, %mul3A_11, %dma_start3A_119] : memref<50x64x4096xf32, #tpu.memory_space<hbm>> -> memref<1x4x4096xf32, #tpu.memory_space<hbm>>
    %dma_start3A_121 = tpu.memref_squeeze %dma_start3A_120 : memref<1x4x4096xf32, #tpu.memory_space<hbm>> -> memref<4x4096xf32, #tpu.memory_space<hbm>>
    %dma_start3A_122 = arith.constant 0 : i32
    %dma_start3A_123 = tpu.memref_slice %arg3[%add3A_118, %mul3A_11, %dma_start3A_122] : memref<50x64x4096xf32, #tpu.memory_space<hbm>> -> memref<1x4x4096xf32, #tpu.memory_space<hbm>>
    %dma_start3A_124 = tpu.memref_squeeze %dma_start3A_123 : memref<1x4x4096xf32, #tpu.memory_space<hbm>> -> memref<4x4096xf32, #tpu.memory_space<hbm>>
    tpu.enqueue_dma source(%arg4 : memref<4x4096xf32, #tpu.memory_space<vmem>>) target(%dma_start3A_124 : memref<4x4096xf32, #tpu.memory_space<hbm>>) target_semaphore(%arg8 : memref<!tpu.dma_semaphore, #tpu.memory_space<semaphore_mem>>)
    %dma_wait3A_125 = arith.constant 0 : i32
    %dma_wait3A_126 = tpu.memref_slice %arg2[%add3A_110, %mul3A_11, %dma_wait3A_125] : memref<100x64x4096xf32, #tpu.memory_space<hbm>> -> memref<1x4x4096xf32, #tpu.memory_space<hbm>>
    %dma_wait3A_127 = tpu.memref_squeeze %dma_wait3A_126 : memref<1x4x4096xf32, #tpu.memory_space<hbm>> -> memref<4x4096xf32, #tpu.memory_space<hbm>>
    %dma_wait3A_128 = arith.constant 0 : i32
    %dma_wait3A_129 = tpu.memref_slice %arg2[%add3A_110, %mul3A_11, %dma_wait3A_128] : memref<100x64x4096xf32, #tpu.memory_space<hbm>> -> memref<1x4x4096xf32, #tpu.memory_space<hbm>>
    %dma_wait3A_130 = tpu.memref_squeeze %dma_wait3A_129 : memref<1x4x4096xf32, #tpu.memory_space<hbm>> -> memref<4x4096xf32, #tpu.memory_space<hbm>>
    tpu.wait_dma2 semaphore(%arg7 : memref<!tpu.dma_semaphore, #tpu.memory_space<semaphore_mem>>) src(%dma_wait3A_130 : memref<4x4096xf32, #tpu.memory_space<hbm>>) dst(%arg5 : memref<4x4096xf32, #tpu.memory_space<vmem>>)
    %dma_wait3A_131 = arith.constant 0 : i32
    %dma_wait3A_132 = tpu.memref_slice %arg3[%add3A_118, %mul3A_11, %dma_wait3A_131] : memref<50x64x4096xf32, #tpu.memory_space<hbm>> -> memref<1x4x4096xf32, #tpu.memory_space<hbm>>
    %dma_wait3A_133 = tpu.memref_squeeze %dma_wait3A_132 : memref<1x4x4096xf32, #tpu.memory_space<hbm>> -> memref<4x4096xf32, #tpu.memory_space<hbm>>
    %dma_wait3A_134 = arith.constant 0 : i32
    %dma_wait3A_135 = tpu.memref_slice %arg3[%add3A_118, %mul3A_11, %dma_wait3A_134] : memref<50x64x4096xf32, #tpu.memory_space<hbm>> -> memref<1x4x4096xf32, #tpu.memory_space<hbm>>
    %dma_wait3A_136 = tpu.memref_squeeze %dma_wait3A_135 : memref<1x4x4096xf32, #tpu.memory_space<hbm>> -> memref<4x4096xf32, #tpu.memory_space<hbm>>
    tpu.wait_dma2 semaphore(%arg8 : memref<!tpu.dma_semaphore, #tpu.memory_space<semaphore_mem>>) src(%arg4 : memref<4x4096xf32, #tpu.memory_space<vmem>>) dst(%dma_wait3A_136 : memref<4x4096xf32, #tpu.memory_space<hbm>>)
    %mul3A_137 = arith.constant 2 : i32
    %mul3A_138 = arith.muli %mul3A_137, %select_n3A_32 : i32
    %add3A_139 = arith.constant 16 : i32
    %add3A_140 = arith.addi %mul3A_138, %add3A_139 : i32
    %dma_start3A_141 = arith.constant 0 : i32
    %dma_start3A_142 = tpu.memref_slice %arg2[%add3A_140, %mul3A_11, %dma_start3A_141] : memref<100x64x4096xf32, #tpu.memory_space<hbm>> -> memref<1x4x4096xf32, #tpu.memory_space<hbm>>
    %dma_start3A_143 = tpu.memref_squeeze %dma_start3A_142 : memref<1x4x4096xf32, #tpu.memory_space<hbm>> -> memref<4x4096xf32, #tpu.memory_space<hbm>>
    %dma_start3A_144 = arith.constant 0 : i32
    %dma_start3A_145 = tpu.memref_slice %arg2[%add3A_140, %mul3A_11, %dma_start3A_144] : memref<100x64x4096xf32, #tpu.memory_space<hbm>> -> memref<1x4x4096xf32, #tpu.memory_space<hbm>>
    %dma_start3A_146 = tpu.memref_squeeze %dma_start3A_145 : memref<1x4x4096xf32, #tpu.memory_space<hbm>> -> memref<4x4096xf32, #tpu.memory_space<hbm>>
    tpu.enqueue_dma source(%dma_start3A_146 : memref<4x4096xf32, #tpu.memory_space<hbm>>) target(%arg4 : memref<4x4096xf32, #tpu.memory_space<vmem>>) target_semaphore(%arg6 : memref<!tpu.dma_semaphore, #tpu.memory_space<semaphore_mem>>)
    %add3A_147 = arith.constant 6 : i32
    %add3A_148 = arith.addi %select_n3A_32, %add3A_147 : i32
    %dma_start3A_149 = arith.constant 0 : i32
    %dma_start3A_150 = tpu.memref_slice %arg3[%add3A_148, %mul3A_11, %dma_start3A_149] : memref<50x64x4096xf32, #tpu.memory_space<hbm>> -> memref<1x4x4096xf32, #tpu.memory_space<hbm>>
    %dma_start3A_151 = tpu.memref_squeeze %dma_start3A_150 : memref<1x4x4096xf32, #tpu.memory_space<hbm>> -> memref<4x4096xf32, #tpu.memory_space<hbm>>
    %dma_start3A_152 = arith.constant 0 : i32
    %dma_start3A_153 = tpu.memref_slice %arg3[%add3A_148, %mul3A_11, %dma_start3A_152] : memref<50x64x4096xf32, #tpu.memory_space<hbm>> -> memref<1x4x4096xf32, #tpu.memory_space<hbm>>
    %dma_start3A_154 = tpu.memref_squeeze %dma_start3A_153 : memref<1x4x4096xf32, #tpu.memory_space<hbm>> -> memref<4x4096xf32, #tpu.memory_space<hbm>>
    tpu.enqueue_dma source(%arg5 : memref<4x4096xf32, #tpu.memory_space<vmem>>) target(%dma_start3A_154 : memref<4x4096xf32, #tpu.memory_space<hbm>>) target_semaphore(%arg9 : memref<!tpu.dma_semaphore, #tpu.memory_space<semaphore_mem>>)
    %dma_wait3A_155 = arith.constant 0 : i32
    %dma_wait3A_156 = tpu.memref_slice %arg2[%add3A_140, %mul3A_11, %dma_wait3A_155] : memref<100x64x4096xf32, #tpu.memory_space<hbm>> -> memref<1x4x4096xf32, #tpu.memory_space<hbm>>
    %dma_wait3A_157 = tpu.memref_squeeze %dma_wait3A_156 : memref<1x4x4096xf32, #tpu.memory_space<hbm>> -> memref<4x4096xf32, #tpu.memory_space<hbm>>
    %dma_wait3A_158 = arith.constant 0 : i32
    %dma_wait3A_159 = tpu.memref_slice %arg2[%add3A_140, %mul3A_11, %dma_wait3A_158] : memref<100x64x4096xf32, #tpu.memory_space<hbm>> -> memref<1x4x4096xf32, #tpu.memory_space<hbm>>
    %dma_wait3A_160 = tpu.memref_squeeze %dma_wait3A_159 : memref<1x4x4096xf32, #tpu.memory_space<hbm>> -> memref<4x4096xf32, #tpu.memory_space<hbm>>
    tpu.wait_dma2 semaphore(%arg6 : memref<!tpu.dma_semaphore, #tpu.memory_space<semaphore_mem>>) src(%dma_wait3A_160 : memref<4x4096xf32, #tpu.memory_space<hbm>>) dst(%arg4 : memref<4x4096xf32, #tpu.memory_space<vmem>>)
    %dma_wait3A_161 = arith.constant 0 : i32
    %dma_wait3A_162 = tpu.memref_slice %arg3[%add3A_148, %mul3A_11, %dma_wait3A_161] : memref<50x64x4096xf32, #tpu.memory_space<hbm>> -> memref<1x4x4096xf32, #tpu.memory_space<hbm>>
    %dma_wait3A_163 = tpu.memref_squeeze %dma_wait3A_162 : memref<1x4x4096xf32, #tpu.memory_space<hbm>> -> memref<4x4096xf32, #tpu.memory_space<hbm>>
    %dma_wait3A_164 = arith.constant 0 : i32
    %dma_wait3A_165 = tpu.memref_slice %arg3[%add3A_148, %mul3A_11, %dma_wait3A_164] : memref<50x64x4096xf32, #tpu.memory_space<hbm>> -> memref<1x4x4096xf32, #tpu.memory_space<hbm>>
    %dma_wait3A_166 = tpu.memref_squeeze %dma_wait3A_165 : memref<1x4x4096xf32, #tpu.memory_space<hbm>> -> memref<4x4096xf32, #tpu.memory_space<hbm>>
    tpu.wait_dma2 semaphore(%arg9 : memref<!tpu.dma_semaphore, #tpu.memory_space<semaphore_mem>>) src(%arg5 : memref<4x4096xf32, #tpu.memory_space<vmem>>) dst(%dma_wait3A_166 : memref<4x4096xf32, #tpu.memory_space<hbm>>)
    %mul3A_167 = arith.constant 2 : i32
    %mul3A_168 = arith.muli %mul3A_167, %select_n3A_32 : i32
    %add3A_169 = arith.constant 20 : i32
    %add3A_170 = arith.addi %mul3A_168, %add3A_169 : i32
    %dma_start3A_171 = arith.constant 0 : i32
    %dma_start3A_172 = tpu.memref_slice %arg2[%add3A_170, %mul3A_11, %dma_start3A_171] : memref<100x64x4096xf32, #tpu.memory_space<hbm>> -> memref<1x4x4096xf32, #tpu.memory_space<hbm>>
    %dma_start3A_173 = tpu.memref_squeeze %dma_start3A_172 : memref<1x4x4096xf32, #tpu.memory_space<hbm>> -> memref<4x4096xf32, #tpu.memory_space<hbm>>
    %dma_start3A_174 = arith.constant 0 : i32
    %dma_start3A_175 = tpu.memref_slice %arg2[%add3A_170, %mul3A_11, %dma_start3A_174] : memref<100x64x4096xf32, #tpu.memory_space<hbm>> -> memref<1x4x4096xf32, #tpu.memory_space<hbm>>
    %dma_start3A_176 = tpu.memref_squeeze %dma_start3A_175 : memref<1x4x4096xf32, #tpu.memory_space<hbm>> -> memref<4x4096xf32, #tpu.memory_space<hbm>>
    tpu.enqueue_dma source(%dma_start3A_176 : memref<4x4096xf32, #tpu.memory_space<hbm>>) target(%arg5 : memref<4x4096xf32, #tpu.memory_space<vmem>>) target_semaphore(%arg7 : memref<!tpu.dma_semaphore, #tpu.memory_space<semaphore_mem>>)
    %add3A_177 = arith.constant 8 : i32
    %add3A_178 = arith.addi %select_n3A_32, %add3A_177 : i32
    %dma_start3A_179 = arith.constant 0 : i32
    %dma_start3A_180 = tpu.memref_slice %arg3[%add3A_178, %mul3A_11, %dma_start3A_179] : memref<50x64x4096xf32, #tpu.memory_space<hbm>> -> memref<1x4x4096xf32, #tpu.memory_space<hbm>>
    %dma_start3A_181 = tpu.memref_squeeze %dma_start3A_180 : memref<1x4x4096xf32, #tpu.memory_space<hbm>> -> memref<4x4096xf32, #tpu.memory_space<hbm>>
    %dma_start3A_182 = arith.constant 0 : i32
    %dma_start3A_183 = tpu.memref_slice %arg3[%add3A_178, %mul3A_11, %dma_start3A_182] : memref<50x64x4096xf32, #tpu.memory_space<hbm>> -> memref<1x4x4096xf32, #tpu.memory_space<hbm>>
    %dma_start3A_184 = tpu.memref_squeeze %dma_start3A_183 : memref<1x4x4096xf32, #tpu.memory_space<hbm>> -> memref<4x4096xf32, #tpu.memory_space<hbm>>
    tpu.enqueue_dma source(%arg4 : memref<4x4096xf32, #tpu.memory_space<vmem>>) target(%dma_start3A_184 : memref<4x4096xf32, #tpu.memory_space<hbm>>) target_semaphore(%arg8 : memref<!tpu.dma_semaphore, #tpu.memory_space<semaphore_mem>>)
    %dma_wait3A_185 = arith.constant 0 : i32
    %dma_wait3A_186 = tpu.memref_slice %arg2[%add3A_170, %mul3A_11, %dma_wait3A_185] : memref<100x64x4096xf32, #tpu.memory_space<hbm>> -> memref<1x4x4096xf32, #tpu.memory_space<hbm>>
    %dma_wait3A_187 = tpu.memref_squeeze %dma_wait3A_186 : memref<1x4x4096xf32, #tpu.memory_space<hbm>> -> memref<4x4096xf32, #tpu.memory_space<hbm>>
    %dma_wait3A_188 = arith.constant 0 : i32
    %dma_wait3A_189 = tpu.memref_slice %arg2[%add3A_170, %mul3A_11, %dma_wait3A_188] : memref<100x64x4096xf32, #tpu.memory_space<hbm>> -> memref<1x4x4096xf32, #tpu.memory_space<hbm>>
    %dma_wait3A_190 = tpu.memref_squeeze %dma_wait3A_189 : memref<1x4x4096xf32, #tpu.memory_space<hbm>> -> memref<4x4096xf32, #tpu.memory_space<hbm>>
    tpu.wait_dma2 semaphore(%arg7 : memref<!tpu.dma_semaphore, #tpu.memory_space<semaphore_mem>>) src(%dma_wait3A_190 : memref<4x4096xf32, #tpu.memory_space<hbm>>) dst(%arg5 : memref<4x4096xf32, #tpu.memory_space<vmem>>)
    %dma_wait3A_191 = arith.constant 0 : i32
    %dma_wait3A_192 = tpu.memref_slice %arg3[%add3A_178, %mul3A_11, %dma_wait3A_191] : memref<50x64x4096xf32, #tpu.memory_space<hbm>> -> memref<1x4x4096xf32, #tpu.memory_space<hbm>>
    %dma_wait3A_193 = tpu.memref_squeeze %dma_wait3A_192 : memref<1x4x4096xf32, #tpu.memory_space<hbm>> -> memref<4x4096xf32, #tpu.memory_space<hbm>>
    %dma_wait3A_194 = arith.constant 0 : i32
    %dma_wait3A_195 = tpu.memref_slice %arg3[%add3A_178, %mul3A_11, %dma_wait3A_194] : memref<50x64x4096xf32, #tpu.memory_space<hbm>> -> memref<1x4x4096xf32, #tpu.memory_space<hbm>>
    %dma_wait3A_196 = tpu.memref_squeeze %dma_wait3A_195 : memref<1x4x4096xf32, #tpu.memory_space<hbm>> -> memref<4x4096xf32, #tpu.memory_space<hbm>>
    tpu.wait_dma2 semaphore(%arg8 : memref<!tpu.dma_semaphore, #tpu.memory_space<semaphore_mem>>) src(%arg4 : memref<4x4096xf32, #tpu.memory_space<vmem>>) dst(%dma_wait3A_196 : memref<4x4096xf32, #tpu.memory_space<hbm>>)
    %mul3A_197 = arith.constant 2 : i32
    %mul3A_198 = arith.muli %mul3A_197, %select_n3A_32 : i32
    %add3A_199 = arith.constant 24 : i32
    %add3A_200 = arith.addi %mul3A_198, %add3A_199 : i32
    %dma_start3A_201 = arith.constant 0 : i32
    %dma_start3A_202 = tpu.memref_slice %arg2[%add3A_200, %mul3A_11, %dma_start3A_201] : memref<100x64x4096xf32, #tpu.memory_space<hbm>> -> memref<1x4x4096xf32, #tpu.memory_space<hbm>>
    %dma_start3A_203 = tpu.memref_squeeze %dma_start3A_202 : memref<1x4x4096xf32, #tpu.memory_space<hbm>> -> memref<4x4096xf32, #tpu.memory_space<hbm>>
    %dma_start3A_204 = arith.constant 0 : i32
    %dma_start3A_205 = tpu.memref_slice %arg2[%add3A_200, %mul3A_11, %dma_start3A_204] : memref<100x64x4096xf32, #tpu.memory_space<hbm>> -> memref<1x4x4096xf32, #tpu.memory_space<hbm>>
    %dma_start3A_206 = tpu.memref_squeeze %dma_start3A_205 : memref<1x4x4096xf32, #tpu.memory_space<hbm>> -> memref<4x4096xf32, #tpu.memory_space<hbm>>
    tpu.enqueue_dma source(%dma_start3A_206 : memref<4x4096xf32, #tpu.memory_space<hbm>>) target(%arg4 : memref<4x4096xf32, #tpu.memory_space<vmem>>) target_semaphore(%arg6 : memref<!tpu.dma_semaphore, #tpu.memory_space<semaphore_mem>>)
    %add3A_207 = arith.constant 10 : i32
    %add3A_208 = arith.addi %select_n3A_32, %add3A_207 : i32
    %dma_start3A_209 = arith.constant 0 : i32
    %dma_start3A_210 = tpu.memref_slice %arg3[%add3A_208, %mul3A_11, %dma_start3A_209] : memref<50x64x4096xf32, #tpu.memory_space<hbm>> -> memref<1x4x4096xf32, #tpu.memory_space<hbm>>
    %dma_start3A_211 = tpu.memref_squeeze %dma_start3A_210 : memref<1x4x4096xf32, #tpu.memory_space<hbm>> -> memref<4x4096xf32, #tpu.memory_space<hbm>>
    %dma_start3A_212 = arith.constant 0 : i32
    %dma_start3A_213 = tpu.memref_slice %arg3[%add3A_208, %mul3A_11, %dma_start3A_212] : memref<50x64x4096xf32, #tpu.memory_space<hbm>> -> memref<1x4x4096xf32, #tpu.memory_space<hbm>>
    %dma_start3A_214 = tpu.memref_squeeze %dma_start3A_213 : memref<1x4x4096xf32, #tpu.memory_space<hbm>> -> memref<4x4096xf32, #tpu.memory_space<hbm>>
    tpu.enqueue_dma source(%arg5 : memref<4x4096xf32, #tpu.memory_space<vmem>>) target(%dma_start3A_214 : memref<4x4096xf32, #tpu.memory_space<hbm>>) target_semaphore(%arg9 : memref<!tpu.dma_semaphore, #tpu.memory_space<semaphore_mem>>)
    %dma_wait3A_215 = arith.constant 0 : i32
    %dma_wait3A_216 = tpu.memref_slice %arg2[%add3A_200, %mul3A_11, %dma_wait3A_215] : memref<100x64x4096xf32, #tpu.memory_space<hbm>> -> memref<1x4x4096xf32, #tpu.memory_space<hbm>>
    %dma_wait3A_217 = tpu.memref_squeeze %dma_wait3A_216 : memref<1x4x4096xf32, #tpu.memory_space<hbm>> -> memref<4x4096xf32, #tpu.memory_space<hbm>>
    %dma_wait3A_218 = arith.constant 0 : i32
    %dma_wait3A_219 = tpu.memref_slice %arg2[%add3A_200, %mul3A_11, %dma_wait3A_218] : memref<100x64x4096xf32, #tpu.memory_space<hbm>> -> memref<1x4x4096xf32, #tpu.memory_space<hbm>>
    %dma_wait3A_220 = tpu.memref_squeeze %dma_wait3A_219 : memref<1x4x4096xf32, #tpu.memory_space<hbm>> -> memref<4x4096xf32, #tpu.memory_space<hbm>>
    tpu.wait_dma2 semaphore(%arg6 : memref<!tpu.dma_semaphore, #tpu.memory_space<semaphore_mem>>) src(%dma_wait3A_220 : memref<4x4096xf32, #tpu.memory_space<hbm>>) dst(%arg4 : memref<4x4096xf32, #tpu.memory_space<vmem>>)
    %dma_wait3A_221 = arith.constant 0 : i32
    %dma_wait3A_222 = tpu.memref_slice %arg3[%add3A_208, %mul3A_11, %dma_wait3A_221] : memref<50x64x4096xf32, #tpu.memory_space<hbm>> -> memref<1x4x4096xf32, #tpu.memory_space<hbm>>
    %dma_wait3A_223 = tpu.memref_squeeze %dma_wait3A_222 : memref<1x4x4096xf32, #tpu.memory_space<hbm>> -> memref<4x4096xf32, #tpu.memory_space<hbm>>
    %dma_wait3A_224 = arith.constant 0 : i32
    %dma_wait3A_225 = tpu.memref_slice %arg3[%add3A_208, %mul3A_11, %dma_wait3A_224] : memref<50x64x4096xf32, #tpu.memory_space<hbm>> -> memref<1x4x4096xf32, #tpu.memory_space<hbm>>
    %dma_wait3A_226 = tpu.memref_squeeze %dma_wait3A_225 : memref<1x4x4096xf32, #tpu.memory_space<hbm>> -> memref<4x4096xf32, #tpu.memory_space<hbm>>
    tpu.wait_dma2 semaphore(%arg9 : memref<!tpu.dma_semaphore, #tpu.memory_space<semaphore_mem>>) src(%arg5 : memref<4x4096xf32, #tpu.memory_space<vmem>>) dst(%dma_wait3A_226 : memref<4x4096xf32, #tpu.memory_space<hbm>>)
    %mul3A_227 = arith.constant 2 : i32
    %mul3A_228 = arith.muli %mul3A_227, %select_n3A_32 : i32
    %add3A_229 = arith.constant 28 : i32
    %add3A_230 = arith.addi %mul3A_228, %add3A_229 : i32
    %dma_start3A_231 = arith.constant 0 : i32
    %dma_start3A_232 = tpu.memref_slice %arg2[%add3A_230, %mul3A_11, %dma_start3A_231] : memref<100x64x4096xf32, #tpu.memory_space<hbm>> -> memref<1x4x4096xf32, #tpu.memory_space<hbm>>
    %dma_start3A_233 = tpu.memref_squeeze %dma_start3A_232 : memref<1x4x4096xf32, #tpu.memory_space<hbm>> -> memref<4x4096xf32, #tpu.memory_space<hbm>>
    %dma_start3A_234 = arith.constant 0 : i32
    %dma_start3A_235 = tpu.memref_slice %arg2[%add3A_230, %mul3A_11, %dma_start3A_234] : memref<100x64x4096xf32, #tpu.memory_space<hbm>> -> memref<1x4x4096xf32, #tpu.memory_space<hbm>>
    %dma_start3A_236 = tpu.memref_squeeze %dma_start3A_235 : memref<1x4x4096xf32, #tpu.memory_space<hbm>> -> memref<4x4096xf32, #tpu.memory_space<hbm>>
    tpu.enqueue_dma source(%dma_start3A_236 : memref<4x4096xf32, #tpu.memory_space<hbm>>) target(%arg5 : memref<4x4096xf32, #tpu.memory_space<vmem>>) target_semaphore(%arg7 : memref<!tpu.dma_semaphore, #tpu.memory_space<semaphore_mem>>)
    %add3A_237 = arith.constant 12 : i32
    %add3A_238 = arith.addi %select_n3A_32, %add3A_237 : i32
    %dma_start3A_239 = arith.constant 0 : i32
    %dma_start3A_240 = tpu.memref_slice %arg3[%add3A_238, %mul3A_11, %dma_start3A_239] : memref<50x64x4096xf32, #tpu.memory_space<hbm>> -> memref<1x4x4096xf32, #tpu.memory_space<hbm>>
    %dma_start3A_241 = tpu.memref_squeeze %dma_start3A_240 : memref<1x4x4096xf32, #tpu.memory_space<hbm>> -> memref<4x4096xf32, #tpu.memory_space<hbm>>
    %dma_start3A_242 = arith.constant 0 : i32
    %dma_start3A_243 = tpu.memref_slice %arg3[%add3A_238, %mul3A_11, %dma_start3A_242] : memref<50x64x4096xf32, #tpu.memory_space<hbm>> -> memref<1x4x4096xf32, #tpu.memory_space<hbm>>
    %dma_start3A_244 = tpu.memref_squeeze %dma_start3A_243 : memref<1x4x4096xf32, #tpu.memory_space<hbm>> -> memref<4x4096xf32, #tpu.memory_space<hbm>>
    tpu.enqueue_dma source(%arg4 : memref<4x4096xf32, #tpu.memory_space<vmem>>) target(%dma_start3A_244 : memref<4x4096xf32, #tpu.memory_space<hbm>>) target_semaphore(%arg8 : memref<!tpu.dma_semaphore, #tpu.memory_space<semaphore_mem>>)
    %dma_wait3A_245 = arith.constant 0 : i32
    %dma_wait3A_246 = tpu.memref_slice %arg2[%add3A_230, %mul3A_11, %dma_wait3A_245] : memref<100x64x4096xf32, #tpu.memory_space<hbm>> -> memref<1x4x4096xf32, #tpu.memory_space<hbm>>
    %dma_wait3A_247 = tpu.memref_squeeze %dma_wait3A_246 : memref<1x4x4096xf32, #tpu.memory_space<hbm>> -> memref<4x4096xf32, #tpu.memory_space<hbm>>
    %dma_wait3A_248 = arith.constant 0 : i32
    %dma_wait3A_249 = tpu.memref_slice %arg2[%add3A_230, %mul3A_11, %dma_wait3A_248] : memref<100x64x4096xf32, #tpu.memory_space<hbm>> -> memref<1x4x4096xf32, #tpu.memory_space<hbm>>
    %dma_wait3A_250 = tpu.memref_squeeze %dma_wait3A_249 : memref<1x4x4096xf32, #tpu.memory_space<hbm>> -> memref<4x4096xf32, #tpu.memory_space<hbm>>
    tpu.wait_dma2 semaphore(%arg7 : memref<!tpu.dma_semaphore, #tpu.memory_space<semaphore_mem>>) src(%dma_wait3A_250 : memref<4x4096xf32, #tpu.memory_space<hbm>>) dst(%arg5 : memref<4x4096xf32, #tpu.memory_space<vmem>>)
    %dma_wait3A_251 = arith.constant 0 : i32
    %dma_wait3A_252 = tpu.memref_slice %arg3[%add3A_238, %mul3A_11, %dma_wait3A_251] : memref<50x64x4096xf32, #tpu.memory_space<hbm>> -> memref<1x4x4096xf32, #tpu.memory_space<hbm>>
    %dma_wait3A_253 = tpu.memref_squeeze %dma_wait3A_252 : memref<1x4x4096xf32, #tpu.memory_space<hbm>> -> memref<4x4096xf32, #tpu.memory_space<hbm>>
    %dma_wait3A_254 = arith.constant 0 : i32
    %dma_wait3A_255 = tpu.memref_slice %arg3[%add3A_238, %mul3A_11, %dma_wait3A_254] : memref<50x64x4096xf32, #tpu.memory_space<hbm>> -> memref<1x4x4096xf32, #tpu.memory_space<hbm>>
    %dma_wait3A_256 = tpu.memref_squeeze %dma_wait3A_255 : memref<1x4x4096xf32, #tpu.memory_space<hbm>> -> memref<4x4096xf32, #tpu.memory_space<hbm>>
    tpu.wait_dma2 semaphore(%arg8 : memref<!tpu.dma_semaphore, #tpu.memory_space<semaphore_mem>>) src(%arg4 : memref<4x4096xf32, #tpu.memory_space<vmem>>) dst(%dma_wait3A_256 : memref<4x4096xf32, #tpu.memory_space<hbm>>)
    %mul3A_257 = arith.constant 2 : i32
    %mul3A_258 = arith.muli %mul3A_257, %select_n3A_32 : i32
    %add3A_259 = arith.constant 32 : i32
    %add3A_260 = arith.addi %mul3A_258, %add3A_259 : i32
    %dma_start3A_261 = arith.constant 0 : i32
    %dma_start3A_262 = tpu.memref_slice %arg2[%add3A_260, %mul3A_11, %dma_start3A_261] : memref<100x64x4096xf32, #tpu.memory_space<hbm>> -> memref<1x4x4096xf32, #tpu.memory_space<hbm>>
    %dma_start3A_263 = tpu.memref_squeeze %dma_start3A_262 : memref<1x4x4096xf32, #tpu.memory_space<hbm>> -> memref<4x4096xf32, #tpu.memory_space<hbm>>
    %dma_start3A_264 = arith.constant 0 : i32
    %dma_start3A_265 = tpu.memref_slice %arg2[%add3A_260, %mul3A_11, %dma_start3A_264] : memref<100x64x4096xf32, #tpu.memory_space<hbm>> -> memref<1x4x4096xf32, #tpu.memory_space<hbm>>
    %dma_start3A_266 = tpu.memref_squeeze %dma_start3A_265 : memref<1x4x4096xf32, #tpu.memory_space<hbm>> -> memref<4x4096xf32, #tpu.memory_space<hbm>>
    tpu.enqueue_dma source(%dma_start3A_266 : memref<4x4096xf32, #tpu.memory_space<hbm>>) target(%arg4 : memref<4x4096xf32, #tpu.memory_space<vmem>>) target_semaphore(%arg6 : memref<!tpu.dma_semaphore, #tpu.memory_space<semaphore_mem>>)
    %add3A_267 = arith.constant 14 : i32
    %add3A_268 = arith.addi %select_n3A_32, %add3A_267 : i32
    %dma_start3A_269 = arith.constant 0 : i32
    %dma_start3A_270 = tpu.memref_slice %arg3[%add3A_268, %mul3A_11, %dma_start3A_269] : memref<50x64x4096xf32, #tpu.memory_space<hbm>> -> memref<1x4x4096xf32, #tpu.memory_space<hbm>>
    %dma_start3A_271 = tpu.memref_squeeze %dma_start3A_270 : memref<1x4x4096xf32, #tpu.memory_space<hbm>> -> memref<4x4096xf32, #tpu.memory_space<hbm>>
    %dma_start3A_272 = arith.constant 0 : i32
    %dma_start3A_273 = tpu.memref_slice %arg3[%add3A_268, %mul3A_11, %dma_start3A_272] : memref<50x64x4096xf32, #tpu.memory_space<hbm>> -> memref<1x4x4096xf32, #tpu.memory_space<hbm>>
    %dma_start3A_274 = tpu.memref_squeeze %dma_start3A_273 : memref<1x4x4096xf32, #tpu.memory_space<hbm>> -> memref<4x4096xf32, #tpu.memory_space<hbm>>
    tpu.enqueue_dma source(%arg5 : memref<4x4096xf32, #tpu.memory_space<vmem>>) target(%dma_start3A_274 : memref<4x4096xf32, #tpu.memory_space<hbm>>) target_semaphore(%arg9 : memref<!tpu.dma_semaphore, #tpu.memory_space<semaphore_mem>>)
    %dma_wait3A_275 = arith.constant 0 : i32
    %dma_wait3A_276 = tpu.memref_slice %arg2[%add3A_260, %mul3A_11, %dma_wait3A_275] : memref<100x64x4096xf32, #tpu.memory_space<hbm>> -> memref<1x4x4096xf32, #tpu.memory_space<hbm>>
    %dma_wait3A_277 = tpu.memref_squeeze %dma_wait3A_276 : memref<1x4x4096xf32, #tpu.memory_space<hbm>> -> memref<4x4096xf32, #tpu.memory_space<hbm>>
    %dma_wait3A_278 = arith.constant 0 : i32
    %dma_wait3A_279 = tpu.memref_slice %arg2[%add3A_260, %mul3A_11, %dma_wait3A_278] : memref<100x64x4096xf32, #tpu.memory_space<hbm>> -> memref<1x4x4096xf32, #tpu.memory_space<hbm>>
    %dma_wait3A_280 = tpu.memref_squeeze %dma_wait3A_279 : memref<1x4x4096xf32, #tpu.memory_space<hbm>> -> memref<4x4096xf32, #tpu.memory_space<hbm>>
    tpu.wait_dma2 semaphore(%arg6 : memref<!tpu.dma_semaphore, #tpu.memory_space<semaphore_mem>>) src(%dma_wait3A_280 : memref<4x4096xf32, #tpu.memory_space<hbm>>) dst(%arg4 : memref<4x4096xf32, #tpu.memory_space<vmem>>)
    %dma_wait3A_281 = arith.constant 0 : i32
    %dma_wait3A_282 = tpu.memref_slice %arg3[%add3A_268, %mul3A_11, %dma_wait3A_281] : memref<50x64x4096xf32, #tpu.memory_space<hbm>> -> memref<1x4x4096xf32, #tpu.memory_space<hbm>>
    %dma_wait3A_283 = tpu.memref_squeeze %dma_wait3A_282 : memref<1x4x4096xf32, #tpu.memory_space<hbm>> -> memref<4x4096xf32, #tpu.memory_space<hbm>>
    %dma_wait3A_284 = arith.constant 0 : i32
    %dma_wait3A_285 = tpu.memref_slice %arg3[%add3A_268, %mul3A_11, %dma_wait3A_284] : memref<50x64x4096xf32, #tpu.memory_space<hbm>> -> memref<1x4x4096xf32, #tpu.memory_space<hbm>>
    %dma_wait3A_286 = tpu.memref_squeeze %dma_wait3A_285 : memref<1x4x4096xf32, #tpu.memory_space<hbm>> -> memref<4x4096xf32, #tpu.memory_space<hbm>>
    tpu.wait_dma2 semaphore(%arg9 : memref<!tpu.dma_semaphore, #tpu.memory_space<semaphore_mem>>) src(%arg5 : memref<4x4096xf32, #tpu.memory_space<vmem>>) dst(%dma_wait3A_286 : memref<4x4096xf32, #tpu.memory_space<hbm>>)
    %mul3A_287 = arith.constant 2 : i32
    %mul3A_288 = arith.muli %mul3A_287, %select_n3A_32 : i32
    %add3A_289 = arith.constant 36 : i32
    %add3A_290 = arith.addi %mul3A_288, %add3A_289 : i32
    %dma_start3A_291 = arith.constant 0 : i32
    %dma_start3A_292 = tpu.memref_slice %arg2[%add3A_290, %mul3A_11, %dma_start3A_291] : memref<100x64x4096xf32, #tpu.memory_space<hbm>> -> memref<1x4x4096xf32, #tpu.memory_space<hbm>>
    %dma_start3A_293 = tpu.memref_squeeze %dma_start3A_292 : memref<1x4x4096xf32, #tpu.memory_space<hbm>> -> memref<4x4096xf32, #tpu.memory_space<hbm>>
    %dma_start3A_294 = arith.constant 0 : i32
    %dma_start3A_295 = tpu.memref_slice %arg2[%add3A_290, %mul3A_11, %dma_start3A_294] : memref<100x64x4096xf32, #tpu.memory_space<hbm>> -> memref<1x4x4096xf32, #tpu.memory_space<hbm>>
    %dma_start3A_296 = tpu.memref_squeeze %dma_start3A_295 : memref<1x4x4096xf32, #tpu.memory_space<hbm>> -> memref<4x4096xf32, #tpu.memory_space<hbm>>
    tpu.enqueue_dma source(%dma_start3A_296 : memref<4x4096xf32, #tpu.memory_space<hbm>>) target(%arg5 : memref<4x4096xf32, #tpu.memory_space<vmem>>) target_semaphore(%arg7 : memref<!tpu.dma_semaphore, #tpu.memory_space<semaphore_mem>>)
    %add3A_297 = arith.constant 16 : i32
    %add3A_298 = arith.addi %select_n3A_32, %add3A_297 : i32
    %dma_start3A_299 = arith.constant 0 : i32
    %dma_start3A_300 = tpu.memref_slice %arg3[%add3A_298, %mul3A_11, %dma_start3A_299] : memref<50x64x4096xf32, #tpu.memory_space<hbm>> -> memref<1x4x4096xf32, #tpu.memory_space<hbm>>
    %dma_start3A_301 = tpu.memref_squeeze %dma_start3A_300 : memref<1x4x4096xf32, #tpu.memory_space<hbm>> -> memref<4x4096xf32, #tpu.memory_space<hbm>>
    %dma_start3A_302 = arith.constant 0 : i32
    %dma_start3A_303 = tpu.memref_slice %arg3[%add3A_298, %mul3A_11, %dma_start3A_302] : memref<50x64x4096xf32, #tpu.memory_space<hbm>> -> memref<1x4x4096xf32, #tpu.memory_space<hbm>>
    %dma_start3A_304 = tpu.memref_squeeze %dma_start3A_303 : memref<1x4x4096xf32, #tpu.memory_space<hbm>> -> memref<4x4096xf32, #tpu.memory_space<hbm>>
    tpu.enqueue_dma source(%arg4 : memref<4x4096xf32, #tpu.memory_space<vmem>>) target(%dma_start3A_304 : memref<4x4096xf32, #tpu.memory_space<hbm>>) target_semaphore(%arg8 : memref<!tpu.dma_semaphore, #tpu.memory_space<semaphore_mem>>)
    %dma_wait3A_305 = arith.constant 0 : i32
    %dma_wait3A_306 = tpu.memref_slice %arg2[%add3A_290, %mul3A_11, %dma_wait3A_305] : memref<100x64x4096xf32, #tpu.memory_space<hbm>> -> memref<1x4x4096xf32, #tpu.memory_space<hbm>>
    %dma_wait3A_307 = tpu.memref_squeeze %dma_wait3A_306 : memref<1x4x4096xf32, #tpu.memory_space<hbm>> -> memref<4x4096xf32, #tpu.memory_space<hbm>>
    %dma_wait3A_308 = arith.constant 0 : i32
    %dma_wait3A_309 = tpu.memref_slice %arg2[%add3A_290, %mul3A_11, %dma_wait3A_308] : memref<100x64x4096xf32, #tpu.memory_space<hbm>> -> memref<1x4x4096xf32, #tpu.memory_space<hbm>>
    %dma_wait3A_310 = tpu.memref_squeeze %dma_wait3A_309 : memref<1x4x4096xf32, #tpu.memory_space<hbm>> -> memref<4x4096xf32, #tpu.memory_space<hbm>>
    tpu.wait_dma2 semaphore(%arg7 : memref<!tpu.dma_semaphore, #tpu.memory_space<semaphore_mem>>) src(%dma_wait3A_310 : memref<4x4096xf32, #tpu.memory_space<hbm>>) dst(%arg5 : memref<4x4096xf32, #tpu.memory_space<vmem>>)
    %dma_wait3A_311 = arith.constant 0 : i32
    %dma_wait3A_312 = tpu.memref_slice %arg3[%add3A_298, %mul3A_11, %dma_wait3A_311] : memref<50x64x4096xf32, #tpu.memory_space<hbm>> -> memref<1x4x4096xf32, #tpu.memory_space<hbm>>
    %dma_wait3A_313 = tpu.memref_squeeze %dma_wait3A_312 : memref<1x4x4096xf32, #tpu.memory_space<hbm>> -> memref<4x4096xf32, #tpu.memory_space<hbm>>
    %dma_wait3A_314 = arith.constant 0 : i32
    %dma_wait3A_315 = tpu.memref_slice %arg3[%add3A_298, %mul3A_11, %dma_wait3A_314] : memref<50x64x4096xf32, #tpu.memory_space<hbm>> -> memref<1x4x4096xf32, #tpu.memory_space<hbm>>
    %dma_wait3A_316 = tpu.memref_squeeze %dma_wait3A_315 : memref<1x4x4096xf32, #tpu.memory_space<hbm>> -> memref<4x4096xf32, #tpu.memory_space<hbm>>
    tpu.wait_dma2 semaphore(%arg8 : memref<!tpu.dma_semaphore, #tpu.memory_space<semaphore_mem>>) src(%arg4 : memref<4x4096xf32, #tpu.memory_space<vmem>>) dst(%dma_wait3A_316 : memref<4x4096xf32, #tpu.memory_space<hbm>>)
    %mul3A_317 = arith.constant 2 : i32
    %mul3A_318 = arith.muli %mul3A_317, %select_n3A_32 : i32
    %add3A_319 = arith.constant 40 : i32
    %add3A_320 = arith.addi %mul3A_318, %add3A_319 : i32
    %dma_start3A_321 = arith.constant 0 : i32
    %dma_start3A_322 = tpu.memref_slice %arg2[%add3A_320, %mul3A_11, %dma_start3A_321] : memref<100x64x4096xf32, #tpu.memory_space<hbm>> -> memref<1x4x4096xf32, #tpu.memory_space<hbm>>
    %dma_start3A_323 = tpu.memref_squeeze %dma_start3A_322 : memref<1x4x4096xf32, #tpu.memory_space<hbm>> -> memref<4x4096xf32, #tpu.memory_space<hbm>>
    %dma_start3A_324 = arith.constant 0 : i32
    %dma_start3A_325 = tpu.memref_slice %arg2[%add3A_320, %mul3A_11, %dma_start3A_324] : memref<100x64x4096xf32, #tpu.memory_space<hbm>> -> memref<1x4x4096xf32, #tpu.memory_space<hbm>>
    %dma_start3A_326 = tpu.memref_squeeze %dma_start3A_325 : memref<1x4x4096xf32, #tpu.memory_space<hbm>> -> memref<4x4096xf32, #tpu.memory_space<hbm>>
    tpu.enqueue_dma source(%dma_start3A_326 : memref<4x4096xf32, #tpu.memory_space<hbm>>) target(%arg4 : memref<4x4096xf32, #tpu.memory_space<vmem>>) target_semaphore(%arg6 : memref<!tpu.dma_semaphore, #tpu.memory_space<semaphore_mem>>)
    %add3A_327 = arith.constant 18 : i32
    %add3A_328 = arith.addi %select_n3A_32, %add3A_327 : i32
    %dma_start3A_329 = arith.constant 0 : i32
    %dma_start3A_330 = tpu.memref_slice %arg3[%add3A_328, %mul3A_11, %dma_start3A_329] : memref<50x64x4096xf32, #tpu.memory_space<hbm>> -> memref<1x4x4096xf32, #tpu.memory_space<hbm>>
    %dma_start3A_331 = tpu.memref_squeeze %dma_start3A_330 : memref<1x4x4096xf32, #tpu.memory_space<hbm>> -> memref<4x4096xf32, #tpu.memory_space<hbm>>
    %dma_start3A_332 = arith.constant 0 : i32
    %dma_start3A_333 = tpu.memref_slice %arg3[%add3A_328, %mul3A_11, %dma_start3A_332] : memref<50x64x4096xf32, #tpu.memory_space<hbm>> -> memref<1x4x4096xf32, #tpu.memory_space<hbm>>
    %dma_start3A_334 = tpu.memref_squeeze %dma_start3A_333 : memref<1x4x4096xf32, #tpu.memory_space<hbm>> -> memref<4x4096xf32, #tpu.memory_space<hbm>>
    tpu.enqueue_dma source(%arg5 : memref<4x4096xf32, #tpu.memory_space<vmem>>) target(%dma_start3A_334 : memref<4x4096xf32, #tpu.memory_space<hbm>>) target_semaphore(%arg9 : memref<!tpu.dma_semaphore, #tpu.memory_space<semaphore_mem>>)
    %dma_wait3A_335 = arith.constant 0 : i32
    %dma_wait3A_336 = tpu.memref_slice %arg2[%add3A_320, %mul3A_11, %dma_wait3A_335] : memref<100x64x4096xf32, #tpu.memory_space<hbm>> -> memref<1x4x4096xf32, #tpu.memory_space<hbm>>
    %dma_wait3A_337 = tpu.memref_squeeze %dma_wait3A_336 : memref<1x4x4096xf32, #tpu.memory_space<hbm>> -> memref<4x4096xf32, #tpu.memory_space<hbm>>
    %dma_wait3A_338 = arith.constant 0 : i32
    %dma_wait3A_339 = tpu.memref_slice %arg2[%add3A_320, %mul3A_11, %dma_wait3A_338] : memref<100x64x4096xf32, #tpu.memory_space<hbm>> -> memref<1x4x4096xf32, #tpu.memory_space<hbm>>
    %dma_wait3A_340 = tpu.memref_squeeze %dma_wait3A_339 : memref<1x4x4096xf32, #tpu.memory_space<hbm>> -> memref<4x4096xf32, #tpu.memory_space<hbm>>
    tpu.wait_dma2 semaphore(%arg6 : memref<!tpu.dma_semaphore, #tpu.memory_space<semaphore_mem>>) src(%dma_wait3A_340 : memref<4x4096xf32, #tpu.memory_space<hbm>>) dst(%arg4 : memref<4x4096xf32, #tpu.memory_space<vmem>>)
    %dma_wait3A_341 = arith.constant 0 : i32
    %dma_wait3A_342 = tpu.memref_slice %arg3[%add3A_328, %mul3A_11, %dma_wait3A_341] : memref<50x64x4096xf32, #tpu.memory_space<hbm>> -> memref<1x4x4096xf32, #tpu.memory_space<hbm>>
    %dma_wait3A_343 = tpu.memref_squeeze %dma_wait3A_342 : memref<1x4x4096xf32, #tpu.memory_space<hbm>> -> memref<4x4096xf32, #tpu.memory_space<hbm>>
    %dma_wait3A_344 = arith.constant 0 : i32
    %dma_wait3A_345 = tpu.memref_slice %arg3[%add3A_328, %mul3A_11, %dma_wait3A_344] : memref<50x64x4096xf32, #tpu.memory_space<hbm>> -> memref<1x4x4096xf32, #tpu.memory_space<hbm>>
    %dma_wait3A_346 = tpu.memref_squeeze %dma_wait3A_345 : memref<1x4x4096xf32, #tpu.memory_space<hbm>> -> memref<4x4096xf32, #tpu.memory_space<hbm>>
    tpu.wait_dma2 semaphore(%arg9 : memref<!tpu.dma_semaphore, #tpu.memory_space<semaphore_mem>>) src(%arg5 : memref<4x4096xf32, #tpu.memory_space<vmem>>) dst(%dma_wait3A_346 : memref<4x4096xf32, #tpu.memory_space<hbm>>)
    %mul3A_347 = arith.constant 2 : i32
    %mul3A_348 = arith.muli %mul3A_347, %select_n3A_32 : i32
    %add3A_349 = arith.constant 44 : i32
    %add3A_350 = arith.addi %mul3A_348, %add3A_349 : i32
    %dma_start3A_351 = arith.constant 0 : i32
    %dma_start3A_352 = tpu.memref_slice %arg2[%add3A_350, %mul3A_11, %dma_start3A_351] : memref<100x64x4096xf32, #tpu.memory_space<hbm>> -> memref<1x4x4096xf32, #tpu.memory_space<hbm>>
    %dma_start3A_353 = tpu.memref_squeeze %dma_start3A_352 : memref<1x4x4096xf32, #tpu.memory_space<hbm>> -> memref<4x4096xf32, #tpu.memory_space<hbm>>
    %dma_start3A_354 = arith.constant 0 : i32
    %dma_start3A_355 = tpu.memref_slice %arg2[%add3A_350, %mul3A_11, %dma_start3A_354] : memref<100x64x4096xf32, #tpu.memory_space<hbm>> -> memref<1x4x4096xf32, #tpu.memory_space<hbm>>
    %dma_start3A_356 = tpu.memref_squeeze %dma_start3A_355 : memref<1x4x4096xf32, #tpu.memory_space<hbm>> -> memref<4x4096xf32, #tpu.memory_space<hbm>>
    tpu.enqueue_dma source(%dma_start3A_356 : memref<4x4096xf32, #tpu.memory_space<hbm>>) target(%arg5 : memref<4x4096xf32, #tpu.memory_space<vmem>>) target_semaphore(%arg7 : memref<!tpu.dma_semaphore, #tpu.memory_space<semaphore_mem>>)
    %add3A_357 = arith.constant 20 : i32
    %add3A_358 = arith.addi %select_n3A_32, %add3A_357 : i32
    %dma_start3A_359 = arith.constant 0 : i32
    %dma_start3A_360 = tpu.memref_slice %arg3[%add3A_358, %mul3A_11, %dma_start3A_359] : memref<50x64x4096xf32, #tpu.memory_space<hbm>> -> memref<1x4x4096xf32, #tpu.memory_space<hbm>>
    %dma_start3A_361 = tpu.memref_squeeze %dma_start3A_360 : memref<1x4x4096xf32, #tpu.memory_space<hbm>> -> memref<4x4096xf32, #tpu.memory_space<hbm>>
    %dma_start3A_362 = arith.constant 0 : i32
    %dma_start3A_363 = tpu.memref_slice %arg3[%add3A_358, %mul3A_11, %dma_start3A_362] : memref<50x64x4096xf32, #tpu.memory_space<hbm>> -> memref<1x4x4096xf32, #tpu.memory_space<hbm>>
    %dma_start3A_364 = tpu.memref_squeeze %dma_start3A_363 : memref<1x4x4096xf32, #tpu.memory_space<hbm>> -> memref<4x4096xf32, #tpu.memory_space<hbm>>
    tpu.enqueue_dma source(%arg4 : memref<4x4096xf32, #tpu.memory_space<vmem>>) target(%dma_start3A_364 : memref<4x4096xf32, #tpu.memory_space<hbm>>) target_semaphore(%arg8 : memref<!tpu.dma_semaphore, #tpu.memory_space<semaphore_mem>>)
    %dma_wait3A_365 = arith.constant 0 : i32
    %dma_wait3A_366 = tpu.memref_slice %arg2[%add3A_350, %mul3A_11, %dma_wait3A_365] : memref<100x64x4096xf32, #tpu.memory_space<hbm>> -> memref<1x4x4096xf32, #tpu.memory_space<hbm>>
    %dma_wait3A_367 = tpu.memref_squeeze %dma_wait3A_366 : memref<1x4x4096xf32, #tpu.memory_space<hbm>> -> memref<4x4096xf32, #tpu.memory_space<hbm>>
    %dma_wait3A_368 = arith.constant 0 : i32
    %dma_wait3A_369 = tpu.memref_slice %arg2[%add3A_350, %mul3A_11, %dma_wait3A_368] : memref<100x64x4096xf32, #tpu.memory_space<hbm>> -> memref<1x4x4096xf32, #tpu.memory_space<hbm>>
    %dma_wait3A_370 = tpu.memref_squeeze %dma_wait3A_369 : memref<1x4x4096xf32, #tpu.memory_space<hbm>> -> memref<4x4096xf32, #tpu.memory_space<hbm>>
    tpu.wait_dma2 semaphore(%arg7 : memref<!tpu.dma_semaphore, #tpu.memory_space<semaphore_mem>>) src(%dma_wait3A_370 : memref<4x4096xf32, #tpu.memory_space<hbm>>) dst(%arg5 : memref<4x4096xf32, #tpu.memory_space<vmem>>)
    %dma_wait3A_371 = arith.constant 0 : i32
    %dma_wait3A_372 = tpu.memref_slice %arg3[%add3A_358, %mul3A_11, %dma_wait3A_371] : memref<50x64x4096xf32, #tpu.memory_space<hbm>> -> memref<1x4x4096xf32, #tpu.memory_space<hbm>>
    %dma_wait3A_373 = tpu.memref_squeeze %dma_wait3A_372 : memref<1x4x4096xf32, #tpu.memory_space<hbm>> -> memref<4x4096xf32, #tpu.memory_space<hbm>>
    %dma_wait3A_374 = arith.constant 0 : i32
    %dma_wait3A_375 = tpu.memref_slice %arg3[%add3A_358, %mul3A_11, %dma_wait3A_374] : memref<50x64x4096xf32, #tpu.memory_space<hbm>> -> memref<1x4x4096xf32, #tpu.memory_space<hbm>>
    %dma_wait3A_376 = tpu.memref_squeeze %dma_wait3A_375 : memref<1x4x4096xf32, #tpu.memory_space<hbm>> -> memref<4x4096xf32, #tpu.memory_space<hbm>>
    tpu.wait_dma2 semaphore(%arg8 : memref<!tpu.dma_semaphore, #tpu.memory_space<semaphore_mem>>) src(%arg4 : memref<4x4096xf32, #tpu.memory_space<vmem>>) dst(%dma_wait3A_376 : memref<4x4096xf32, #tpu.memory_space<hbm>>)
    %mul3A_377 = arith.constant 2 : i32
    %mul3A_378 = arith.muli %mul3A_377, %select_n3A_32 : i32
    %add3A_379 = arith.constant 48 : i32
    %add3A_380 = arith.addi %mul3A_378, %add3A_379 : i32
    %dma_start3A_381 = arith.constant 0 : i32
    %dma_start3A_382 = tpu.memref_slice %arg2[%add3A_380, %mul3A_11, %dma_start3A_381] : memref<100x64x4096xf32, #tpu.memory_space<hbm>> -> memref<1x4x4096xf32, #tpu.memory_space<hbm>>
    %dma_start3A_383 = tpu.memref_squeeze %dma_start3A_382 : memref<1x4x4096xf32, #tpu.memory_space<hbm>> -> memref<4x4096xf32, #tpu.memory_space<hbm>>
    %dma_start3A_384 = arith.constant 0 : i32
    %dma_start3A_385 = tpu.memref_slice %arg2[%add3A_380, %mul3A_11, %dma_start3A_384] : memref<100x64x4096xf32, #tpu.memory_space<hbm>> -> memref<1x4x4096xf32, #tpu.memory_space<hbm>>
    %dma_start3A_386 = tpu.memref_squeeze %dma_start3A_385 : memref<1x4x4096xf32, #tpu.memory_space<hbm>> -> memref<4x4096xf32, #tpu.memory_space<hbm>>
    tpu.enqueue_dma source(%dma_start3A_386 : memref<4x4096xf32, #tpu.memory_space<hbm>>) target(%arg4 : memref<4x4096xf32, #tpu.memory_space<vmem>>) target_semaphore(%arg6 : memref<!tpu.dma_semaphore, #tpu.memory_space<semaphore_mem>>)
    %add3A_387 = arith.constant 22 : i32
    %add3A_388 = arith.addi %select_n3A_32, %add3A_387 : i32
    %dma_start3A_389 = arith.constant 0 : i32
    %dma_start3A_390 = tpu.memref_slice %arg3[%add3A_388, %mul3A_11, %dma_start3A_389] : memref<50x64x4096xf32, #tpu.memory_space<hbm>> -> memref<1x4x4096xf32, #tpu.memory_space<hbm>>
    %dma_start3A_391 = tpu.memref_squeeze %dma_start3A_390 : memref<1x4x4096xf32, #tpu.memory_space<hbm>> -> memref<4x4096xf32, #tpu.memory_space<hbm>>
    %dma_start3A_392 = arith.constant 0 : i32
    %dma_start3A_393 = tpu.memref_slice %arg3[%add3A_388, %mul3A_11, %dma_start3A_392] : memref<50x64x4096xf32, #tpu.memory_space<hbm>> -> memref<1x4x4096xf32, #tpu.memory_space<hbm>>
    %dma_start3A_394 = tpu.memref_squeeze %dma_start3A_393 : memref<1x4x4096xf32, #tpu.memory_space<hbm>> -> memref<4x4096xf32, #tpu.memory_space<hbm>>
    tpu.enqueue_dma source(%arg5 : memref<4x4096xf32, #tpu.memory_space<vmem>>) target(%dma_start3A_394 : memref<4x4096xf32, #tpu.memory_space<hbm>>) target_semaphore(%arg9 : memref<!tpu.dma_semaphore, #tpu.memory_space<semaphore_mem>>)
    %dma_wait3A_395 = arith.constant 0 : i32
    %dma_wait3A_396 = tpu.memref_slice %arg2[%add3A_380, %mul3A_11, %dma_wait3A_395] : memref<100x64x4096xf32, #tpu.memory_space<hbm>> -> memref<1x4x4096xf32, #tpu.memory_space<hbm>>
    %dma_wait3A_397 = tpu.memref_squeeze %dma_wait3A_396 : memref<1x4x4096xf32, #tpu.memory_space<hbm>> -> memref<4x4096xf32, #tpu.memory_space<hbm>>
    %dma_wait3A_398 = arith.constant 0 : i32
    %dma_wait3A_399 = tpu.memref_slice %arg2[%add3A_380, %mul3A_11, %dma_wait3A_398] : memref<100x64x4096xf32, #tpu.memory_space<hbm>> -> memref<1x4x4096xf32, #tpu.memory_space<hbm>>
    %dma_wait3A_400 = tpu.memref_squeeze %dma_wait3A_399 : memref<1x4x4096xf32, #tpu.memory_space<hbm>> -> memref<4x4096xf32, #tpu.memory_space<hbm>>
    tpu.wait_dma2 semaphore(%arg6 : memref<!tpu.dma_semaphore, #tpu.memory_space<semaphore_mem>>) src(%dma_wait3A_400 : memref<4x4096xf32, #tpu.memory_space<hbm>>) dst(%arg4 : memref<4x4096xf32, #tpu.memory_space<vmem>>)
    %dma_wait3A_401 = arith.constant 0 : i32
    %dma_wait3A_402 = tpu.memref_slice %arg3[%add3A_388, %mul3A_11, %dma_wait3A_401] : memref<50x64x4096xf32, #tpu.memory_space<hbm>> -> memref<1x4x4096xf32, #tpu.memory_space<hbm>>
    %dma_wait3A_403 = tpu.memref_squeeze %dma_wait3A_402 : memref<1x4x4096xf32, #tpu.memory_space<hbm>> -> memref<4x4096xf32, #tpu.memory_space<hbm>>
    %dma_wait3A_404 = arith.constant 0 : i32
    %dma_wait3A_405 = tpu.memref_slice %arg3[%add3A_388, %mul3A_11, %dma_wait3A_404] : memref<50x64x4096xf32, #tpu.memory_space<hbm>> -> memref<1x4x4096xf32, #tpu.memory_space<hbm>>
    %dma_wait3A_406 = tpu.memref_squeeze %dma_wait3A_405 : memref<1x4x4096xf32, #tpu.memory_space<hbm>> -> memref<4x4096xf32, #tpu.memory_space<hbm>>
    tpu.wait_dma2 semaphore(%arg9 : memref<!tpu.dma_semaphore, #tpu.memory_space<semaphore_mem>>) src(%arg5 : memref<4x4096xf32, #tpu.memory_space<vmem>>) dst(%dma_wait3A_406 : memref<4x4096xf32, #tpu.memory_space<hbm>>)
    %mul3A_407 = arith.constant 2 : i32
    %mul3A_408 = arith.muli %mul3A_407, %select_n3A_32 : i32
    %add3A_409 = arith.constant 52 : i32
    %add3A_410 = arith.addi %mul3A_408, %add3A_409 : i32
    %dma_start3A_411 = arith.constant 0 : i32
    %dma_start3A_412 = tpu.memref_slice %arg2[%add3A_410, %mul3A_11, %dma_start3A_411] : memref<100x64x4096xf32, #tpu.memory_space<hbm>> -> memref<1x4x4096xf32, #tpu.memory_space<hbm>>
    %dma_start3A_413 = tpu.memref_squeeze %dma_start3A_412 : memref<1x4x4096xf32, #tpu.memory_space<hbm>> -> memref<4x4096xf32, #tpu.memory_space<hbm>>
    %dma_start3A_414 = arith.constant 0 : i32
    %dma_start3A_415 = tpu.memref_slice %arg2[%add3A_410, %mul3A_11, %dma_start3A_414] : memref<100x64x4096xf32, #tpu.memory_space<hbm>> -> memref<1x4x4096xf32, #tpu.memory_space<hbm>>
    %dma_start3A_416 = tpu.memref_squeeze %dma_start3A_415 : memref<1x4x4096xf32, #tpu.memory_space<hbm>> -> memref<4x4096xf32, #tpu.memory_space<hbm>>
    tpu.enqueue_dma source(%dma_start3A_416 : memref<4x4096xf32, #tpu.memory_space<hbm>>) target(%arg5 : memref<4x4096xf32, #tpu.memory_space<vmem>>) target_semaphore(%arg7 : memref<!tpu.dma_semaphore, #tpu.memory_space<semaphore_mem>>)
    %add3A_417 = arith.constant 24 : i32
    %add3A_418 = arith.addi %select_n3A_32, %add3A_417 : i32
    %dma_start3A_419 = arith.constant 0 : i32
    %dma_start3A_420 = tpu.memref_slice %arg3[%add3A_418, %mul3A_11, %dma_start3A_419] : memref<50x64x4096xf32, #tpu.memory_space<hbm>> -> memref<1x4x4096xf32, #tpu.memory_space<hbm>>
    %dma_start3A_421 = tpu.memref_squeeze %dma_start3A_420 : memref<1x4x4096xf32, #tpu.memory_space<hbm>> -> memref<4x4096xf32, #tpu.memory_space<hbm>>
    %dma_start3A_422 = arith.constant 0 : i32
    %dma_start3A_423 = tpu.memref_slice %arg3[%add3A_418, %mul3A_11, %dma_start3A_422] : memref<50x64x4096xf32, #tpu.memory_space<hbm>> -> memref<1x4x4096xf32, #tpu.memory_space<hbm>>
    %dma_start3A_424 = tpu.memref_squeeze %dma_start3A_423 : memref<1x4x4096xf32, #tpu.memory_space<hbm>> -> memref<4x4096xf32, #tpu.memory_space<hbm>>
    tpu.enqueue_dma source(%arg4 : memref<4x4096xf32, #tpu.memory_space<vmem>>) target(%dma_start3A_424 : memref<4x4096xf32, #tpu.memory_space<hbm>>) target_semaphore(%arg8 : memref<!tpu.dma_semaphore, #tpu.memory_space<semaphore_mem>>)
    %dma_wait3A_425 = arith.constant 0 : i32
    %dma_wait3A_426 = tpu.memref_slice %arg2[%add3A_410, %mul3A_11, %dma_wait3A_425] : memref<100x64x4096xf32, #tpu.memory_space<hbm>> -> memref<1x4x4096xf32, #tpu.memory_space<hbm>>
    %dma_wait3A_427 = tpu.memref_squeeze %dma_wait3A_426 : memref<1x4x4096xf32, #tpu.memory_space<hbm>> -> memref<4x4096xf32, #tpu.memory_space<hbm>>
    %dma_wait3A_428 = arith.constant 0 : i32
    %dma_wait3A_429 = tpu.memref_slice %arg2[%add3A_410, %mul3A_11, %dma_wait3A_428] : memref<100x64x4096xf32, #tpu.memory_space<hbm>> -> memref<1x4x4096xf32, #tpu.memory_space<hbm>>
    %dma_wait3A_430 = tpu.memref_squeeze %dma_wait3A_429 : memref<1x4x4096xf32, #tpu.memory_space<hbm>> -> memref<4x4096xf32, #tpu.memory_space<hbm>>
    tpu.wait_dma2 semaphore(%arg7 : memref<!tpu.dma_semaphore, #tpu.memory_space<semaphore_mem>>) src(%dma_wait3A_430 : memref<4x4096xf32, #tpu.memory_space<hbm>>) dst(%arg5 : memref<4x4096xf32, #tpu.memory_space<vmem>>)
    %dma_wait3A_431 = arith.constant 0 : i32
    %dma_wait3A_432 = tpu.memref_slice %arg3[%add3A_418, %mul3A_11, %dma_wait3A_431] : memref<50x64x4096xf32, #tpu.memory_space<hbm>> -> memref<1x4x4096xf32, #tpu.memory_space<hbm>>
    %dma_wait3A_433 = tpu.memref_squeeze %dma_wait3A_432 : memref<1x4x4096xf32, #tpu.memory_space<hbm>> -> memref<4x4096xf32, #tpu.memory_space<hbm>>
    %dma_wait3A_434 = arith.constant 0 : i32
    %dma_wait3A_435 = tpu.memref_slice %arg3[%add3A_418, %mul3A_11, %dma_wait3A_434] : memref<50x64x4096xf32, #tpu.memory_space<hbm>> -> memref<1x4x4096xf32, #tpu.memory_space<hbm>>
    %dma_wait3A_436 = tpu.memref_squeeze %dma_wait3A_435 : memref<1x4x4096xf32, #tpu.memory_space<hbm>> -> memref<4x4096xf32, #tpu.memory_space<hbm>>
    tpu.wait_dma2 semaphore(%arg8 : memref<!tpu.dma_semaphore, #tpu.memory_space<semaphore_mem>>) src(%arg4 : memref<4x4096xf32, #tpu.memory_space<vmem>>) dst(%dma_wait3A_436 : memref<4x4096xf32, #tpu.memory_space<hbm>>)
    %mul3A_437 = arith.constant 2 : i32
    %mul3A_438 = arith.muli %mul3A_437, %select_n3A_32 : i32
    %add3A_439 = arith.constant 56 : i32
    %add3A_440 = arith.addi %mul3A_438, %add3A_439 : i32
    %dma_start3A_441 = arith.constant 0 : i32
    %dma_start3A_442 = tpu.memref_slice %arg2[%add3A_440, %mul3A_11, %dma_start3A_441] : memref<100x64x4096xf32, #tpu.memory_space<hbm>> -> memref<1x4x4096xf32, #tpu.memory_space<hbm>>
    %dma_start3A_443 = tpu.memref_squeeze %dma_start3A_442 : memref<1x4x4096xf32, #tpu.memory_space<hbm>> -> memref<4x4096xf32, #tpu.memory_space<hbm>>
    %dma_start3A_444 = arith.constant 0 : i32
    %dma_start3A_445 = tpu.memref_slice %arg2[%add3A_440, %mul3A_11, %dma_start3A_444] : memref<100x64x4096xf32, #tpu.memory_space<hbm>> -> memref<1x4x4096xf32, #tpu.memory_space<hbm>>
    %dma_start3A_446 = tpu.memref_squeeze %dma_start3A_445 : memref<1x4x4096xf32, #tpu.memory_space<hbm>> -> memref<4x4096xf32, #tpu.memory_space<hbm>>
    tpu.enqueue_dma source(%dma_start3A_446 : memref<4x4096xf32, #tpu.memory_space<hbm>>) target(%arg4 : memref<4x4096xf32, #tpu.memory_space<vmem>>) target_semaphore(%arg6 : memref<!tpu.dma_semaphore, #tpu.memory_space<semaphore_mem>>)
    %add3A_447 = arith.constant 26 : i32
    %add3A_448 = arith.addi %select_n3A_32, %add3A_447 : i32
    %dma_start3A_449 = arith.constant 0 : i32
    %dma_start3A_450 = tpu.memref_slice %arg3[%add3A_448, %mul3A_11, %dma_start3A_449] : memref<50x64x4096xf32, #tpu.memory_space<hbm>> -> memref<1x4x4096xf32, #tpu.memory_space<hbm>>
    %dma_start3A_451 = tpu.memref_squeeze %dma_start3A_450 : memref<1x4x4096xf32, #tpu.memory_space<hbm>> -> memref<4x4096xf32, #tpu.memory_space<hbm>>
    %dma_start3A_452 = arith.constant 0 : i32
    %dma_start3A_453 = tpu.memref_slice %arg3[%add3A_448, %mul3A_11, %dma_start3A_452] : memref<50x64x4096xf32, #tpu.memory_space<hbm>> -> memref<1x4x4096xf32, #tpu.memory_space<hbm>>
    %dma_start3A_454 = tpu.memref_squeeze %dma_start3A_453 : memref<1x4x4096xf32, #tpu.memory_space<hbm>> -> memref<4x4096xf32, #tpu.memory_space<hbm>>
    tpu.enqueue_dma source(%arg5 : memref<4x4096xf32, #tpu.memory_space<vmem>>) target(%dma_start3A_454 : memref<4x4096xf32, #tpu.memory_space<hbm>>) target_semaphore(%arg9 : memref<!tpu.dma_semaphore, #tpu.memory_space<semaphore_mem>>)
    %dma_wait3A_455 = arith.constant 0 : i32
    %dma_wait3A_456 = tpu.memref_slice %arg2[%add3A_440, %mul3A_11, %dma_wait3A_455] : memref<100x64x4096xf32, #tpu.memory_space<hbm>> -> memref<1x4x4096xf32, #tpu.memory_space<hbm>>
    %dma_wait3A_457 = tpu.memref_squeeze %dma_wait3A_456 : memref<1x4x4096xf32, #tpu.memory_space<hbm>> -> memref<4x4096xf32, #tpu.memory_space<hbm>>
    %dma_wait3A_458 = arith.constant 0 : i32
    %dma_wait3A_459 = tpu.memref_slice %arg2[%add3A_440, %mul3A_11, %dma_wait3A_458] : memref<100x64x4096xf32, #tpu.memory_space<hbm>> -> memref<1x4x4096xf32, #tpu.memory_space<hbm>>
    %dma_wait3A_460 = tpu.memref_squeeze %dma_wait3A_459 : memref<1x4x4096xf32, #tpu.memory_space<hbm>> -> memref<4x4096xf32, #tpu.memory_space<hbm>>
    tpu.wait_dma2 semaphore(%arg6 : memref<!tpu.dma_semaphore, #tpu.memory_space<semaphore_mem>>) src(%dma_wait3A_460 : memref<4x4096xf32, #tpu.memory_space<hbm>>) dst(%arg4 : memref<4x4096xf32, #tpu.memory_space<vmem>>)
    %dma_wait3A_461 = arith.constant 0 : i32
    %dma_wait3A_462 = tpu.memref_slice %arg3[%add3A_448, %mul3A_11, %dma_wait3A_461] : memref<50x64x4096xf32, #tpu.memory_space<hbm>> -> memref<1x4x4096xf32, #tpu.memory_space<hbm>>
    %dma_wait3A_463 = tpu.memref_squeeze %dma_wait3A_462 : memref<1x4x4096xf32, #tpu.memory_space<hbm>> -> memref<4x4096xf32, #tpu.memory_space<hbm>>
    %dma_wait3A_464 = arith.constant 0 : i32
    %dma_wait3A_465 = tpu.memref_slice %arg3[%add3A_448, %mul3A_11, %dma_wait3A_464] : memref<50x64x4096xf32, #tpu.memory_space<hbm>> -> memref<1x4x4096xf32, #tpu.memory_space<hbm>>
    %dma_wait3A_466 = tpu.memref_squeeze %dma_wait3A_465 : memref<1x4x4096xf32, #tpu.memory_space<hbm>> -> memref<4x4096xf32, #tpu.memory_space<hbm>>
    tpu.wait_dma2 semaphore(%arg9 : memref<!tpu.dma_semaphore, #tpu.memory_space<semaphore_mem>>) src(%arg5 : memref<4x4096xf32, #tpu.memory_space<vmem>>) dst(%dma_wait3A_466 : memref<4x4096xf32, #tpu.memory_space<hbm>>)
    %mul3A_467 = arith.constant 2 : i32
    %mul3A_468 = arith.muli %mul3A_467, %select_n3A_32 : i32
    %add3A_469 = arith.constant 60 : i32
    %add3A_470 = arith.addi %mul3A_468, %add3A_469 : i32
    %dma_start3A_471 = arith.constant 0 : i32
    %dma_start3A_472 = tpu.memref_slice %arg2[%add3A_470, %mul3A_11, %dma_start3A_471] : memref<100x64x4096xf32, #tpu.memory_space<hbm>> -> memref<1x4x4096xf32, #tpu.memory_space<hbm>>
    %dma_start3A_473 = tpu.memref_squeeze %dma_start3A_472 : memref<1x4x4096xf32, #tpu.memory_space<hbm>> -> memref<4x4096xf32, #tpu.memory_space<hbm>>
    %dma_start3A_474 = arith.constant 0 : i32
    %dma_start3A_475 = tpu.memref_slice %arg2[%add3A_470, %mul3A_11, %dma_start3A_474] : memref<100x64x4096xf32, #tpu.memory_space<hbm>> -> memref<1x4x4096xf32, #tpu.memory_space<hbm>>
    %dma_start3A_476 = tpu.memref_squeeze %dma_start3A_475 : memref<1x4x4096xf32, #tpu.memory_space<hbm>> -> memref<4x4096xf32, #tpu.memory_space<hbm>>
    tpu.enqueue_dma source(%dma_start3A_476 : memref<4x4096xf32, #tpu.memory_space<hbm>>) target(%arg5 : memref<4x4096xf32, #tpu.memory_space<vmem>>) target_semaphore(%arg7 : memref<!tpu.dma_semaphore, #tpu.memory_space<semaphore_mem>>)
    %add3A_477 = arith.constant 28 : i32
    %add3A_478 = arith.addi %select_n3A_32, %add3A_477 : i32
    %dma_start3A_479 = arith.constant 0 : i32
    %dma_start3A_480 = tpu.memref_slice %arg3[%add3A_478, %mul3A_11, %dma_start3A_479] : memref<50x64x4096xf32, #tpu.memory_space<hbm>> -> memref<1x4x4096xf32, #tpu.memory_space<hbm>>
    %dma_start3A_481 = tpu.memref_squeeze %dma_start3A_480 : memref<1x4x4096xf32, #tpu.memory_space<hbm>> -> memref<4x4096xf32, #tpu.memory_space<hbm>>
    %dma_start3A_482 = arith.constant 0 : i32
    %dma_start3A_483 = tpu.memref_slice %arg3[%add3A_478, %mul3A_11, %dma_start3A_482] : memref<50x64x4096xf32, #tpu.memory_space<hbm>> -> memref<1x4x4096xf32, #tpu.memory_space<hbm>>
    %dma_start3A_484 = tpu.memref_squeeze %dma_start3A_483 : memref<1x4x4096xf32, #tpu.memory_space<hbm>> -> memref<4x4096xf32, #tpu.memory_space<hbm>>
    tpu.enqueue_dma source(%arg4 : memref<4x4096xf32, #tpu.memory_space<vmem>>) target(%dma_start3A_484 : memref<4x4096xf32, #tpu.memory_space<hbm>>) target_semaphore(%arg8 : memref<!tpu.dma_semaphore, #tpu.memory_space<semaphore_mem>>)
    %dma_wait3A_485 = arith.constant 0 : i32
    %dma_wait3A_486 = tpu.memref_slice %arg2[%add3A_470, %mul3A_11, %dma_wait3A_485] : memref<100x64x4096xf32, #tpu.memory_space<hbm>> -> memref<1x4x4096xf32, #tpu.memory_space<hbm>>
    %dma_wait3A_487 = tpu.memref_squeeze %dma_wait3A_486 : memref<1x4x4096xf32, #tpu.memory_space<hbm>> -> memref<4x4096xf32, #tpu.memory_space<hbm>>
    %dma_wait3A_488 = arith.constant 0 : i32
    %dma_wait3A_489 = tpu.memref_slice %arg2[%add3A_470, %mul3A_11, %dma_wait3A_488] : memref<100x64x4096xf32, #tpu.memory_space<hbm>> -> memref<1x4x4096xf32, #tpu.memory_space<hbm>>
    %dma_wait3A_490 = tpu.memref_squeeze %dma_wait3A_489 : memref<1x4x4096xf32, #tpu.memory_space<hbm>> -> memref<4x4096xf32, #tpu.memory_space<hbm>>
    tpu.wait_dma2 semaphore(%arg7 : memref<!tpu.dma_semaphore, #tpu.memory_space<semaphore_mem>>) src(%dma_wait3A_490 : memref<4x4096xf32, #tpu.memory_space<hbm>>) dst(%arg5 : memref<4x4096xf32, #tpu.memory_space<vmem>>)
    %dma_wait3A_491 = arith.constant 0 : i32
    %dma_wait3A_492 = tpu.memref_slice %arg3[%add3A_478, %mul3A_11, %dma_wait3A_491] : memref<50x64x4096xf32, #tpu.memory_space<hbm>> -> memref<1x4x4096xf32, #tpu.memory_space<hbm>>
    %dma_wait3A_493 = tpu.memref_squeeze %dma_wait3A_492 : memref<1x4x4096xf32, #tpu.memory_space<hbm>> -> memref<4x4096xf32, #tpu.memory_space<hbm>>
    %dma_wait3A_494 = arith.constant 0 : i32
    %dma_wait3A_495 = tpu.memref_slice %arg3[%add3A_478, %mul3A_11, %dma_wait3A_494] : memref<50x64x4096xf32, #tpu.memory_space<hbm>> -> memref<1x4x4096xf32, #tpu.memory_space<hbm>>
    %dma_wait3A_496 = tpu.memref_squeeze %dma_wait3A_495 : memref<1x4x4096xf32, #tpu.memory_space<hbm>> -> memref<4x4096xf32, #tpu.memory_space<hbm>>
    tpu.wait_dma2 semaphore(%arg8 : memref<!tpu.dma_semaphore, #tpu.memory_space<semaphore_mem>>) src(%arg4 : memref<4x4096xf32, #tpu.memory_space<vmem>>) dst(%dma_wait3A_496 : memref<4x4096xf32, #tpu.memory_space<hbm>>)
    %mul3A_497 = arith.constant 2 : i32
    %mul3A_498 = arith.muli %mul3A_497, %select_n3A_32 : i32
    %add3A_499 = arith.constant 64 : i32
    %add3A_500 = arith.addi %mul3A_498, %add3A_499 : i32
    %dma_start3A_501 = arith.constant 0 : i32
    %dma_start3A_502 = tpu.memref_slice %arg2[%add3A_500, %mul3A_11, %dma_start3A_501] : memref<100x64x4096xf32, #tpu.memory_space<hbm>> -> memref<1x4x4096xf32, #tpu.memory_space<hbm>>
    %dma_start3A_503 = tpu.memref_squeeze %dma_start3A_502 : memref<1x4x4096xf32, #tpu.memory_space<hbm>> -> memref<4x4096xf32, #tpu.memory_space<hbm>>
    %dma_start3A_504 = arith.constant 0 : i32
    %dma_start3A_505 = tpu.memref_slice %arg2[%add3A_500, %mul3A_11, %dma_start3A_504] : memref<100x64x4096xf32, #tpu.memory_space<hbm>> -> memref<1x4x4096xf32, #tpu.memory_space<hbm>>
    %dma_start3A_506 = tpu.memref_squeeze %dma_start3A_505 : memref<1x4x4096xf32, #tpu.memory_space<hbm>> -> memref<4x4096xf32, #tpu.memory_space<hbm>>
    tpu.enqueue_dma source(%dma_start3A_506 : memref<4x4096xf32, #tpu.memory_space<hbm>>) target(%arg4 : memref<4x4096xf32, #tpu.memory_space<vmem>>) target_semaphore(%arg6 : memref<!tpu.dma_semaphore, #tpu.memory_space<semaphore_mem>>)
    %add3A_507 = arith.constant 30 : i32
    %add3A_508 = arith.addi %select_n3A_32, %add3A_507 : i32
    %dma_start3A_509 = arith.constant 0 : i32
    %dma_start3A_510 = tpu.memref_slice %arg3[%add3A_508, %mul3A_11, %dma_start3A_509] : memref<50x64x4096xf32, #tpu.memory_space<hbm>> -> memref<1x4x4096xf32, #tpu.memory_space<hbm>>
    %dma_start3A_511 = tpu.memref_squeeze %dma_start3A_510 : memref<1x4x4096xf32, #tpu.memory_space<hbm>> -> memref<4x4096xf32, #tpu.memory_space<hbm>>
    %dma_start3A_512 = arith.constant 0 : i32
    %dma_start3A_513 = tpu.memref_slice %arg3[%add3A_508, %mul3A_11, %dma_start3A_512] : memref<50x64x4096xf32, #tpu.memory_space<hbm>> -> memref<1x4x4096xf32, #tpu.memory_space<hbm>>
    %dma_start3A_514 = tpu.memref_squeeze %dma_start3A_513 : memref<1x4x4096xf32, #tpu.memory_space<hbm>> -> memref<4x4096xf32, #tpu.memory_space<hbm>>
    tpu.enqueue_dma source(%arg5 : memref<4x4096xf32, #tpu.memory_space<vmem>>) target(%dma_start3A_514 : memref<4x4096xf32, #tpu.memory_space<hbm>>) target_semaphore(%arg9 : memref<!tpu.dma_semaphore, #tpu.memory_space<semaphore_mem>>)
    %dma_wait3A_515 = arith.constant 0 : i32
    %dma_wait3A_516 = tpu.memref_slice %arg2[%add3A_500, %mul3A_11, %dma_wait3A_515] : memref<100x64x4096xf32, #tpu.memory_space<hbm>> -> memref<1x4x4096xf32, #tpu.memory_space<hbm>>
    %dma_wait3A_517 = tpu.memref_squeeze %dma_wait3A_516 : memref<1x4x4096xf32, #tpu.memory_space<hbm>> -> memref<4x4096xf32, #tpu.memory_space<hbm>>
    %dma_wait3A_518 = arith.constant 0 : i32
    %dma_wait3A_519 = tpu.memref_slice %arg2[%add3A_500, %mul3A_11, %dma_wait3A_518] : memref<100x64x4096xf32, #tpu.memory_space<hbm>> -> memref<1x4x4096xf32, #tpu.memory_space<hbm>>
    %dma_wait3A_520 = tpu.memref_squeeze %dma_wait3A_519 : memref<1x4x4096xf32, #tpu.memory_space<hbm>> -> memref<4x4096xf32, #tpu.memory_space<hbm>>
    tpu.wait_dma2 semaphore(%arg6 : memref<!tpu.dma_semaphore, #tpu.memory_space<semaphore_mem>>) src(%dma_wait3A_520 : memref<4x4096xf32, #tpu.memory_space<hbm>>) dst(%arg4 : memref<4x4096xf32, #tpu.memory_space<vmem>>)
    %dma_wait3A_521 = arith.constant 0 : i32
    %dma_wait3A_522 = tpu.memref_slice %arg3[%add3A_508, %mul3A_11, %dma_wait3A_521] : memref<50x64x4096xf32, #tpu.memory_space<hbm>> -> memref<1x4x4096xf32, #tpu.memory_space<hbm>>
    %dma_wait3A_523 = tpu.memref_squeeze %dma_wait3A_522 : memref<1x4x4096xf32, #tpu.memory_space<hbm>> -> memref<4x4096xf32, #tpu.memory_space<hbm>>
    %dma_wait3A_524 = arith.constant 0 : i32
    %dma_wait3A_525 = tpu.memref_slice %arg3[%add3A_508, %mul3A_11, %dma_wait3A_524] : memref<50x64x4096xf32, #tpu.memory_space<hbm>> -> memref<1x4x4096xf32, #tpu.memory_space<hbm>>
    %dma_wait3A_526 = tpu.memref_squeeze %dma_wait3A_525 : memref<1x4x4096xf32, #tpu.memory_space<hbm>> -> memref<4x4096xf32, #tpu.memory_space<hbm>>
    tpu.wait_dma2 semaphore(%arg9 : memref<!tpu.dma_semaphore, #tpu.memory_space<semaphore_mem>>) src(%arg5 : memref<4x4096xf32, #tpu.memory_space<vmem>>) dst(%dma_wait3A_526 : memref<4x4096xf32, #tpu.memory_space<hbm>>)
    %mul3A_527 = arith.constant 2 : i32
    %mul3A_528 = arith.muli %mul3A_527, %select_n3A_32 : i32
    %add3A_529 = arith.constant 68 : i32
    %add3A_530 = arith.addi %mul3A_528, %add3A_529 : i32
    %dma_start3A_531 = arith.constant 0 : i32
    %dma_start3A_532 = tpu.memref_slice %arg2[%add3A_530, %mul3A_11, %dma_start3A_531] : memref<100x64x4096xf32, #tpu.memory_space<hbm>> -> memref<1x4x4096xf32, #tpu.memory_space<hbm>>
    %dma_start3A_533 = tpu.memref_squeeze %dma_start3A_532 : memref<1x4x4096xf32, #tpu.memory_space<hbm>> -> memref<4x4096xf32, #tpu.memory_space<hbm>>
    %dma_start3A_534 = arith.constant 0 : i32
    %dma_start3A_535 = tpu.memref_slice %arg2[%add3A_530, %mul3A_11, %dma_start3A_534] : memref<100x64x4096xf32, #tpu.memory_space<hbm>> -> memref<1x4x4096xf32, #tpu.memory_space<hbm>>
    %dma_start3A_536 = tpu.memref_squeeze %dma_start3A_535 : memref<1x4x4096xf32, #tpu.memory_space<hbm>> -> memref<4x4096xf32, #tpu.memory_space<hbm>>
    tpu.enqueue_dma source(%dma_start3A_536 : memref<4x4096xf32, #tpu.memory_space<hbm>>) target(%arg5 : memref<4x4096xf32, #tpu.memory_space<vmem>>) target_semaphore(%arg7 : memref<!tpu.dma_semaphore, #tpu.memory_space<semaphore_mem>>)
    %add3A_537 = arith.constant 32 : i32
    %add3A_538 = arith.addi %select_n3A_32, %add3A_537 : i32
    %dma_start3A_539 = arith.constant 0 : i32
    %dma_start3A_540 = tpu.memref_slice %arg3[%add3A_538, %mul3A_11, %dma_start3A_539] : memref<50x64x4096xf32, #tpu.memory_space<hbm>> -> memref<1x4x4096xf32, #tpu.memory_space<hbm>>
    %dma_start3A_541 = tpu.memref_squeeze %dma_start3A_540 : memref<1x4x4096xf32, #tpu.memory_space<hbm>> -> memref<4x4096xf32, #tpu.memory_space<hbm>>
    %dma_start3A_542 = arith.constant 0 : i32
    %dma_start3A_543 = tpu.memref_slice %arg3[%add3A_538, %mul3A_11, %dma_start3A_542] : memref<50x64x4096xf32, #tpu.memory_space<hbm>> -> memref<1x4x4096xf32, #tpu.memory_space<hbm>>
    %dma_start3A_544 = tpu.memref_squeeze %dma_start3A_543 : memref<1x4x4096xf32, #tpu.memory_space<hbm>> -> memref<4x4096xf32, #tpu.memory_space<hbm>>
    tpu.enqueue_dma source(%arg4 : memref<4x4096xf32, #tpu.memory_space<vmem>>) target(%dma_start3A_544 : memref<4x4096xf32, #tpu.memory_space<hbm>>) target_semaphore(%arg8 : memref<!tpu.dma_semaphore, #tpu.memory_space<semaphore_mem>>)
    %dma_wait3A_545 = arith.constant 0 : i32
    %dma_wait3A_546 = tpu.memref_slice %arg2[%add3A_530, %mul3A_11, %dma_wait3A_545] : memref<100x64x4096xf32, #tpu.memory_space<hbm>> -> memref<1x4x4096xf32, #tpu.memory_space<hbm>>
    %dma_wait3A_547 = tpu.memref_squeeze %dma_wait3A_546 : memref<1x4x4096xf32, #tpu.memory_space<hbm>> -> memref<4x4096xf32, #tpu.memory_space<hbm>>
    %dma_wait3A_548 = arith.constant 0 : i32
    %dma_wait3A_549 = tpu.memref_slice %arg2[%add3A_530, %mul3A_11, %dma_wait3A_548] : memref<100x64x4096xf32, #tpu.memory_space<hbm>> -> memref<1x4x4096xf32, #tpu.memory_space<hbm>>
    %dma_wait3A_550 = tpu.memref_squeeze %dma_wait3A_549 : memref<1x4x4096xf32, #tpu.memory_space<hbm>> -> memref<4x4096xf32, #tpu.memory_space<hbm>>
    tpu.wait_dma2 semaphore(%arg7 : memref<!tpu.dma_semaphore, #tpu.memory_space<semaphore_mem>>) src(%dma_wait3A_550 : memref<4x4096xf32, #tpu.memory_space<hbm>>) dst(%arg5 : memref<4x4096xf32, #tpu.memory_space<vmem>>)
    %dma_wait3A_551 = arith.constant 0 : i32
    %dma_wait3A_552 = tpu.memref_slice %arg3[%add3A_538, %mul3A_11, %dma_wait3A_551] : memref<50x64x4096xf32, #tpu.memory_space<hbm>> -> memref<1x4x4096xf32, #tpu.memory_space<hbm>>
    %dma_wait3A_553 = tpu.memref_squeeze %dma_wait3A_552 : memref<1x4x4096xf32, #tpu.memory_space<hbm>> -> memref<4x4096xf32, #tpu.memory_space<hbm>>
    %dma_wait3A_554 = arith.constant 0 : i32
    %dma_wait3A_555 = tpu.memref_slice %arg3[%add3A_538, %mul3A_11, %dma_wait3A_554] : memref<50x64x4096xf32, #tpu.memory_space<hbm>> -> memref<1x4x4096xf32, #tpu.memory_space<hbm>>
    %dma_wait3A_556 = tpu.memref_squeeze %dma_wait3A_555 : memref<1x4x4096xf32, #tpu.memory_space<hbm>> -> memref<4x4096xf32, #tpu.memory_space<hbm>>
    tpu.wait_dma2 semaphore(%arg8 : memref<!tpu.dma_semaphore, #tpu.memory_space<semaphore_mem>>) src(%arg4 : memref<4x4096xf32, #tpu.memory_space<vmem>>) dst(%dma_wait3A_556 : memref<4x4096xf32, #tpu.memory_space<hbm>>)
    %mul3A_557 = arith.constant 2 : i32
    %mul3A_558 = arith.muli %mul3A_557, %select_n3A_32 : i32
    %add3A_559 = arith.constant 72 : i32
    %add3A_560 = arith.addi %mul3A_558, %add3A_559 : i32
    %dma_start3A_561 = arith.constant 0 : i32
    %dma_start3A_562 = tpu.memref_slice %arg2[%add3A_560, %mul3A_11, %dma_start3A_561] : memref<100x64x4096xf32, #tpu.memory_space<hbm>> -> memref<1x4x4096xf32, #tpu.memory_space<hbm>>
    %dma_start3A_563 = tpu.memref_squeeze %dma_start3A_562 : memref<1x4x4096xf32, #tpu.memory_space<hbm>> -> memref<4x4096xf32, #tpu.memory_space<hbm>>
    %dma_start3A_564 = arith.constant 0 : i32
    %dma_start3A_565 = tpu.memref_slice %arg2[%add3A_560, %mul3A_11, %dma_start3A_564] : memref<100x64x4096xf32, #tpu.memory_space<hbm>> -> memref<1x4x4096xf32, #tpu.memory_space<hbm>>
    %dma_start3A_566 = tpu.memref_squeeze %dma_start3A_565 : memref<1x4x4096xf32, #tpu.memory_space<hbm>> -> memref<4x4096xf32, #tpu.memory_space<hbm>>
    tpu.enqueue_dma source(%dma_start3A_566 : memref<4x4096xf32, #tpu.memory_space<hbm>>) target(%arg4 : memref<4x4096xf32, #tpu.memory_space<vmem>>) target_semaphore(%arg6 : memref<!tpu.dma_semaphore, #tpu.memory_space<semaphore_mem>>)
    %add3A_567 = arith.constant 34 : i32
    %add3A_568 = arith.addi %select_n3A_32, %add3A_567 : i32
    %dma_start3A_569 = arith.constant 0 : i32
    %dma_start3A_570 = tpu.memref_slice %arg3[%add3A_568, %mul3A_11, %dma_start3A_569] : memref<50x64x4096xf32, #tpu.memory_space<hbm>> -> memref<1x4x4096xf32, #tpu.memory_space<hbm>>
    %dma_start3A_571 = tpu.memref_squeeze %dma_start3A_570 : memref<1x4x4096xf32, #tpu.memory_space<hbm>> -> memref<4x4096xf32, #tpu.memory_space<hbm>>
    %dma_start3A_572 = arith.constant 0 : i32
    %dma_start3A_573 = tpu.memref_slice %arg3[%add3A_568, %mul3A_11, %dma_start3A_572] : memref<50x64x4096xf32, #tpu.memory_space<hbm>> -> memref<1x4x4096xf32, #tpu.memory_space<hbm>>
    %dma_start3A_574 = tpu.memref_squeeze %dma_start3A_573 : memref<1x4x4096xf32, #tpu.memory_space<hbm>> -> memref<4x4096xf32, #tpu.memory_space<hbm>>
    tpu.enqueue_dma source(%arg5 : memref<4x4096xf32, #tpu.memory_space<vmem>>) target(%dma_start3A_574 : memref<4x4096xf32, #tpu.memory_space<hbm>>) target_semaphore(%arg9 : memref<!tpu.dma_semaphore, #tpu.memory_space<semaphore_mem>>)
    %dma_wait3A_575 = arith.constant 0 : i32
    %dma_wait3A_576 = tpu.memref_slice %arg2[%add3A_560, %mul3A_11, %dma_wait3A_575] : memref<100x64x4096xf32, #tpu.memory_space<hbm>> -> memref<1x4x4096xf32, #tpu.memory_space<hbm>>
    %dma_wait3A_577 = tpu.memref_squeeze %dma_wait3A_576 : memref<1x4x4096xf32, #tpu.memory_space<hbm>> -> memref<4x4096xf32, #tpu.memory_space<hbm>>
    %dma_wait3A_578 = arith.constant 0 : i32
    %dma_wait3A_579 = tpu.memref_slice %arg2[%add3A_560, %mul3A_11, %dma_wait3A_578] : memref<100x64x4096xf32, #tpu.memory_space<hbm>> -> memref<1x4x4096xf32, #tpu.memory_space<hbm>>
    %dma_wait3A_580 = tpu.memref_squeeze %dma_wait3A_579 : memref<1x4x4096xf32, #tpu.memory_space<hbm>> -> memref<4x4096xf32, #tpu.memory_space<hbm>>
    tpu.wait_dma2 semaphore(%arg6 : memref<!tpu.dma_semaphore, #tpu.memory_space<semaphore_mem>>) src(%dma_wait3A_580 : memref<4x4096xf32, #tpu.memory_space<hbm>>) dst(%arg4 : memref<4x4096xf32, #tpu.memory_space<vmem>>)
    %dma_wait3A_581 = arith.constant 0 : i32
    %dma_wait3A_582 = tpu.memref_slice %arg3[%add3A_568, %mul3A_11, %dma_wait3A_581] : memref<50x64x4096xf32, #tpu.memory_space<hbm>> -> memref<1x4x4096xf32, #tpu.memory_space<hbm>>
    %dma_wait3A_583 = tpu.memref_squeeze %dma_wait3A_582 : memref<1x4x4096xf32, #tpu.memory_space<hbm>> -> memref<4x4096xf32, #tpu.memory_space<hbm>>
    %dma_wait3A_584 = arith.constant 0 : i32
    %dma_wait3A_585 = tpu.memref_slice %arg3[%add3A_568, %mul3A_11, %dma_wait3A_584] : memref<50x64x4096xf32, #tpu.memory_space<hbm>> -> memref<1x4x4096xf32, #tpu.memory_space<hbm>>
    %dma_wait3A_586 = tpu.memref_squeeze %dma_wait3A_585 : memref<1x4x4096xf32, #tpu.memory_space<hbm>> -> memref<4x4096xf32, #tpu.memory_space<hbm>>
    tpu.wait_dma2 semaphore(%arg9 : memref<!tpu.dma_semaphore, #tpu.memory_space<semaphore_mem>>) src(%arg5 : memref<4x4096xf32, #tpu.memory_space<vmem>>) dst(%dma_wait3A_586 : memref<4x4096xf32, #tpu.memory_space<hbm>>)
    %mul3A_587 = arith.constant 2 : i32
    %mul3A_588 = arith.muli %mul3A_587, %select_n3A_32 : i32
    %add3A_589 = arith.constant 76 : i32
    %add3A_590 = arith.addi %mul3A_588, %add3A_589 : i32
    %dma_start3A_591 = arith.constant 0 : i32
    %dma_start3A_592 = tpu.memref_slice %arg2[%add3A_590, %mul3A_11, %dma_start3A_591] : memref<100x64x4096xf32, #tpu.memory_space<hbm>> -> memref<1x4x4096xf32, #tpu.memory_space<hbm>>
    %dma_start3A_593 = tpu.memref_squeeze %dma_start3A_592 : memref<1x4x4096xf32, #tpu.memory_space<hbm>> -> memref<4x4096xf32, #tpu.memory_space<hbm>>
    %dma_start3A_594 = arith.constant 0 : i32
    %dma_start3A_595 = tpu.memref_slice %arg2[%add3A_590, %mul3A_11, %dma_start3A_594] : memref<100x64x4096xf32, #tpu.memory_space<hbm>> -> memref<1x4x4096xf32, #tpu.memory_space<hbm>>
    %dma_start3A_596 = tpu.memref_squeeze %dma_start3A_595 : memref<1x4x4096xf32, #tpu.memory_space<hbm>> -> memref<4x4096xf32, #tpu.memory_space<hbm>>
    tpu.enqueue_dma source(%dma_start3A_596 : memref<4x4096xf32, #tpu.memory_space<hbm>>) target(%arg5 : memref<4x4096xf32, #tpu.memory_space<vmem>>) target_semaphore(%arg7 : memref<!tpu.dma_semaphore, #tpu.memory_space<semaphore_mem>>)
    %add3A_597 = arith.constant 36 : i32
    %add3A_598 = arith.addi %select_n3A_32, %add3A_597 : i32
    %dma_start3A_599 = arith.constant 0 : i32
    %dma_start3A_600 = tpu.memref_slice %arg3[%add3A_598, %mul3A_11, %dma_start3A_599] : memref<50x64x4096xf32, #tpu.memory_space<hbm>> -> memref<1x4x4096xf32, #tpu.memory_space<hbm>>
    %dma_start3A_601 = tpu.memref_squeeze %dma_start3A_600 : memref<1x4x4096xf32, #tpu.memory_space<hbm>> -> memref<4x4096xf32, #tpu.memory_space<hbm>>
    %dma_start3A_602 = arith.constant 0 : i32
    %dma_start3A_603 = tpu.memref_slice %arg3[%add3A_598, %mul3A_11, %dma_start3A_602] : memref<50x64x4096xf32, #tpu.memory_space<hbm>> -> memref<1x4x4096xf32, #tpu.memory_space<hbm>>
    %dma_start3A_604 = tpu.memref_squeeze %dma_start3A_603 : memref<1x4x4096xf32, #tpu.memory_space<hbm>> -> memref<4x4096xf32, #tpu.memory_space<hbm>>
    tpu.enqueue_dma source(%arg4 : memref<4x4096xf32, #tpu.memory_space<vmem>>) target(%dma_start3A_604 : memref<4x4096xf32, #tpu.memory_space<hbm>>) target_semaphore(%arg8 : memref<!tpu.dma_semaphore, #tpu.memory_space<semaphore_mem>>)
    %dma_wait3A_605 = arith.constant 0 : i32
    %dma_wait3A_606 = tpu.memref_slice %arg2[%add3A_590, %mul3A_11, %dma_wait3A_605] : memref<100x64x4096xf32, #tpu.memory_space<hbm>> -> memref<1x4x4096xf32, #tpu.memory_space<hbm>>
    %dma_wait3A_607 = tpu.memref_squeeze %dma_wait3A_606 : memref<1x4x4096xf32, #tpu.memory_space<hbm>> -> memref<4x4096xf32, #tpu.memory_space<hbm>>
    %dma_wait3A_608 = arith.constant 0 : i32
    %dma_wait3A_609 = tpu.memref_slice %arg2[%add3A_590, %mul3A_11, %dma_wait3A_608] : memref<100x64x4096xf32, #tpu.memory_space<hbm>> -> memref<1x4x4096xf32, #tpu.memory_space<hbm>>
    %dma_wait3A_610 = tpu.memref_squeeze %dma_wait3A_609 : memref<1x4x4096xf32, #tpu.memory_space<hbm>> -> memref<4x4096xf32, #tpu.memory_space<hbm>>
    tpu.wait_dma2 semaphore(%arg7 : memref<!tpu.dma_semaphore, #tpu.memory_space<semaphore_mem>>) src(%dma_wait3A_610 : memref<4x4096xf32, #tpu.memory_space<hbm>>) dst(%arg5 : memref<4x4096xf32, #tpu.memory_space<vmem>>)
    %dma_wait3A_611 = arith.constant 0 : i32
    %dma_wait3A_612 = tpu.memref_slice %arg3[%add3A_598, %mul3A_11, %dma_wait3A_611] : memref<50x64x4096xf32, #tpu.memory_space<hbm>> -> memref<1x4x4096xf32, #tpu.memory_space<hbm>>
    %dma_wait3A_613 = tpu.memref_squeeze %dma_wait3A_612 : memref<1x4x4096xf32, #tpu.memory_space<hbm>> -> memref<4x4096xf32, #tpu.memory_space<hbm>>
    %dma_wait3A_614 = arith.constant 0 : i32
    %dma_wait3A_615 = tpu.memref_slice %arg3[%add3A_598, %mul3A_11, %dma_wait3A_614] : memref<50x64x4096xf32, #tpu.memory_space<hbm>> -> memref<1x4x4096xf32, #tpu.memory_space<hbm>>
    %dma_wait3A_616 = tpu.memref_squeeze %dma_wait3A_615 : memref<1x4x4096xf32, #tpu.memory_space<hbm>> -> memref<4x4096xf32, #tpu.memory_space<hbm>>
    tpu.wait_dma2 semaphore(%arg8 : memref<!tpu.dma_semaphore, #tpu.memory_space<semaphore_mem>>) src(%arg4 : memref<4x4096xf32, #tpu.memory_space<vmem>>) dst(%dma_wait3A_616 : memref<4x4096xf32, #tpu.memory_space<hbm>>)
    %mul3A_617 = arith.constant 2 : i32
    %mul3A_618 = arith.muli %mul3A_617, %select_n3A_32 : i32
    %add3A_619 = arith.constant 80 : i32
    %add3A_620 = arith.addi %mul3A_618, %add3A_619 : i32
    %dma_start3A_621 = arith.constant 0 : i32
    %dma_start3A_622 = tpu.memref_slice %arg2[%add3A_620, %mul3A_11, %dma_start3A_621] : memref<100x64x4096xf32, #tpu.memory_space<hbm>> -> memref<1x4x4096xf32, #tpu.memory_space<hbm>>
    %dma_start3A_623 = tpu.memref_squeeze %dma_start3A_622 : memref<1x4x4096xf32, #tpu.memory_space<hbm>> -> memref<4x4096xf32, #tpu.memory_space<hbm>>
    %dma_start3A_624 = arith.constant 0 : i32
    %dma_start3A_625 = tpu.memref_slice %arg2[%add3A_620, %mul3A_11, %dma_start3A_624] : memref<100x64x4096xf32, #tpu.memory_space<hbm>> -> memref<1x4x4096xf32, #tpu.memory_space<hbm>>
    %dma_start3A_626 = tpu.memref_squeeze %dma_start3A_625 : memref<1x4x4096xf32, #tpu.memory_space<hbm>> -> memref<4x4096xf32, #tpu.memory_space<hbm>>
    tpu.enqueue_dma source(%dma_start3A_626 : memref<4x4096xf32, #tpu.memory_space<hbm>>) target(%arg4 : memref<4x4096xf32, #tpu.memory_space<vmem>>) target_semaphore(%arg6 : memref<!tpu.dma_semaphore, #tpu.memory_space<semaphore_mem>>)
    %add3A_627 = arith.constant 38 : i32
    %add3A_628 = arith.addi %select_n3A_32, %add3A_627 : i32
    %dma_start3A_629 = arith.constant 0 : i32
    %dma_start3A_630 = tpu.memref_slice %arg3[%add3A_628, %mul3A_11, %dma_start3A_629] : memref<50x64x4096xf32, #tpu.memory_space<hbm>> -> memref<1x4x4096xf32, #tpu.memory_space<hbm>>
    %dma_start3A_631 = tpu.memref_squeeze %dma_start3A_630 : memref<1x4x4096xf32, #tpu.memory_space<hbm>> -> memref<4x4096xf32, #tpu.memory_space<hbm>>
    %dma_start3A_632 = arith.constant 0 : i32
    %dma_start3A_633 = tpu.memref_slice %arg3[%add3A_628, %mul3A_11, %dma_start3A_632] : memref<50x64x4096xf32, #tpu.memory_space<hbm>> -> memref<1x4x4096xf32, #tpu.memory_space<hbm>>
    %dma_start3A_634 = tpu.memref_squeeze %dma_start3A_633 : memref<1x4x4096xf32, #tpu.memory_space<hbm>> -> memref<4x4096xf32, #tpu.memory_space<hbm>>
    tpu.enqueue_dma source(%arg5 : memref<4x4096xf32, #tpu.memory_space<vmem>>) target(%dma_start3A_634 : memref<4x4096xf32, #tpu.memory_space<hbm>>) target_semaphore(%arg9 : memref<!tpu.dma_semaphore, #tpu.memory_space<semaphore_mem>>)
    %dma_wait3A_635 = arith.constant 0 : i32
    %dma_wait3A_636 = tpu.memref_slice %arg2[%add3A_620, %mul3A_11, %dma_wait3A_635] : memref<100x64x4096xf32, #tpu.memory_space<hbm>> -> memref<1x4x4096xf32, #tpu.memory_space<hbm>>
    %dma_wait3A_637 = tpu.memref_squeeze %dma_wait3A_636 : memref<1x4x4096xf32, #tpu.memory_space<hbm>> -> memref<4x4096xf32, #tpu.memory_space<hbm>>
    %dma_wait3A_638 = arith.constant 0 : i32
    %dma_wait3A_639 = tpu.memref_slice %arg2[%add3A_620, %mul3A_11, %dma_wait3A_638] : memref<100x64x4096xf32, #tpu.memory_space<hbm>> -> memref<1x4x4096xf32, #tpu.memory_space<hbm>>
    %dma_wait3A_640 = tpu.memref_squeeze %dma_wait3A_639 : memref<1x4x4096xf32, #tpu.memory_space<hbm>> -> memref<4x4096xf32, #tpu.memory_space<hbm>>
    tpu.wait_dma2 semaphore(%arg6 : memref<!tpu.dma_semaphore, #tpu.memory_space<semaphore_mem>>) src(%dma_wait3A_640 : memref<4x4096xf32, #tpu.memory_space<hbm>>) dst(%arg4 : memref<4x4096xf32, #tpu.memory_space<vmem>>)
    %dma_wait3A_641 = arith.constant 0 : i32
    %dma_wait3A_642 = tpu.memref_slice %arg3[%add3A_628, %mul3A_11, %dma_wait3A_641] : memref<50x64x4096xf32, #tpu.memory_space<hbm>> -> memref<1x4x4096xf32, #tpu.memory_space<hbm>>
    %dma_wait3A_643 = tpu.memref_squeeze %dma_wait3A_642 : memref<1x4x4096xf32, #tpu.memory_space<hbm>> -> memref<4x4096xf32, #tpu.memory_space<hbm>>
    %dma_wait3A_644 = arith.constant 0 : i32
    %dma_wait3A_645 = tpu.memref_slice %arg3[%add3A_628, %mul3A_11, %dma_wait3A_644] : memref<50x64x4096xf32, #tpu.memory_space<hbm>> -> memref<1x4x4096xf32, #tpu.memory_space<hbm>>
    %dma_wait3A_646 = tpu.memref_squeeze %dma_wait3A_645 : memref<1x4x4096xf32, #tpu.memory_space<hbm>> -> memref<4x4096xf32, #tpu.memory_space<hbm>>
    tpu.wait_dma2 semaphore(%arg9 : memref<!tpu.dma_semaphore, #tpu.memory_space<semaphore_mem>>) src(%arg5 : memref<4x4096xf32, #tpu.memory_space<vmem>>) dst(%dma_wait3A_646 : memref<4x4096xf32, #tpu.memory_space<hbm>>)
    %mul3A_647 = arith.constant 2 : i32
    %mul3A_648 = arith.muli %mul3A_647, %select_n3A_32 : i32
    %add3A_649 = arith.constant 84 : i32
    %add3A_650 = arith.addi %mul3A_648, %add3A_649 : i32
    %dma_start3A_651 = arith.constant 0 : i32
    %dma_start3A_652 = tpu.memref_slice %arg2[%add3A_650, %mul3A_11, %dma_start3A_651] : memref<100x64x4096xf32, #tpu.memory_space<hbm>> -> memref<1x4x4096xf32, #tpu.memory_space<hbm>>
    %dma_start3A_653 = tpu.memref_squeeze %dma_start3A_652 : memref<1x4x4096xf32, #tpu.memory_space<hbm>> -> memref<4x4096xf32, #tpu.memory_space<hbm>>
    %dma_start3A_654 = arith.constant 0 : i32
    %dma_start3A_655 = tpu.memref_slice %arg2[%add3A_650, %mul3A_11, %dma_start3A_654] : memref<100x64x4096xf32, #tpu.memory_space<hbm>> -> memref<1x4x4096xf32, #tpu.memory_space<hbm>>
    %dma_start3A_656 = tpu.memref_squeeze %dma_start3A_655 : memref<1x4x4096xf32, #tpu.memory_space<hbm>> -> memref<4x4096xf32, #tpu.memory_space<hbm>>
    tpu.enqueue_dma source(%dma_start3A_656 : memref<4x4096xf32, #tpu.memory_space<hbm>>) target(%arg5 : memref<4x4096xf32, #tpu.memory_space<vmem>>) target_semaphore(%arg7 : memref<!tpu.dma_semaphore, #tpu.memory_space<semaphore_mem>>)
    %add3A_657 = arith.constant 40 : i32
    %add3A_658 = arith.addi %select_n3A_32, %add3A_657 : i32
    %dma_start3A_659 = arith.constant 0 : i32
    %dma_start3A_660 = tpu.memref_slice %arg3[%add3A_658, %mul3A_11, %dma_start3A_659] : memref<50x64x4096xf32, #tpu.memory_space<hbm>> -> memref<1x4x4096xf32, #tpu.memory_space<hbm>>
    %dma_start3A_661 = tpu.memref_squeeze %dma_start3A_660 : memref<1x4x4096xf32, #tpu.memory_space<hbm>> -> memref<4x4096xf32, #tpu.memory_space<hbm>>
    %dma_start3A_662 = arith.constant 0 : i32
    %dma_start3A_663 = tpu.memref_slice %arg3[%add3A_658, %mul3A_11, %dma_start3A_662] : memref<50x64x4096xf32, #tpu.memory_space<hbm>> -> memref<1x4x4096xf32, #tpu.memory_space<hbm>>
    %dma_start3A_664 = tpu.memref_squeeze %dma_start3A_663 : memref<1x4x4096xf32, #tpu.memory_space<hbm>> -> memref<4x4096xf32, #tpu.memory_space<hbm>>
    tpu.enqueue_dma source(%arg4 : memref<4x4096xf32, #tpu.memory_space<vmem>>) target(%dma_start3A_664 : memref<4x4096xf32, #tpu.memory_space<hbm>>) target_semaphore(%arg8 : memref<!tpu.dma_semaphore, #tpu.memory_space<semaphore_mem>>)
    %dma_wait3A_665 = arith.constant 0 : i32
    %dma_wait3A_666 = tpu.memref_slice %arg2[%add3A_650, %mul3A_11, %dma_wait3A_665] : memref<100x64x4096xf32, #tpu.memory_space<hbm>> -> memref<1x4x4096xf32, #tpu.memory_space<hbm>>
    %dma_wait3A_667 = tpu.memref_squeeze %dma_wait3A_666 : memref<1x4x4096xf32, #tpu.memory_space<hbm>> -> memref<4x4096xf32, #tpu.memory_space<hbm>>
    %dma_wait3A_668 = arith.constant 0 : i32
    %dma_wait3A_669 = tpu.memref_slice %arg2[%add3A_650, %mul3A_11, %dma_wait3A_668] : memref<100x64x4096xf32, #tpu.memory_space<hbm>> -> memref<1x4x4096xf32, #tpu.memory_space<hbm>>
    %dma_wait3A_670 = tpu.memref_squeeze %dma_wait3A_669 : memref<1x4x4096xf32, #tpu.memory_space<hbm>> -> memref<4x4096xf32, #tpu.memory_space<hbm>>
    tpu.wait_dma2 semaphore(%arg7 : memref<!tpu.dma_semaphore, #tpu.memory_space<semaphore_mem>>) src(%dma_wait3A_670 : memref<4x4096xf32, #tpu.memory_space<hbm>>) dst(%arg5 : memref<4x4096xf32, #tpu.memory_space<vmem>>)
    %dma_wait3A_671 = arith.constant 0 : i32
    %dma_wait3A_672 = tpu.memref_slice %arg3[%add3A_658, %mul3A_11, %dma_wait3A_671] : memref<50x64x4096xf32, #tpu.memory_space<hbm>> -> memref<1x4x4096xf32, #tpu.memory_space<hbm>>
    %dma_wait3A_673 = tpu.memref_squeeze %dma_wait3A_672 : memref<1x4x4096xf32, #tpu.memory_space<hbm>> -> memref<4x4096xf32, #tpu.memory_space<hbm>>
    %dma_wait3A_674 = arith.constant 0 : i32
    %dma_wait3A_675 = tpu.memref_slice %arg3[%add3A_658, %mul3A_11, %dma_wait3A_674] : memref<50x64x4096xf32, #tpu.memory_space<hbm>> -> memref<1x4x4096xf32, #tpu.memory_space<hbm>>
    %dma_wait3A_676 = tpu.memref_squeeze %dma_wait3A_675 : memref<1x4x4096xf32, #tpu.memory_space<hbm>> -> memref<4x4096xf32, #tpu.memory_space<hbm>>
    tpu.wait_dma2 semaphore(%arg8 : memref<!tpu.dma_semaphore, #tpu.memory_space<semaphore_mem>>) src(%arg4 : memref<4x4096xf32, #tpu.memory_space<vmem>>) dst(%dma_wait3A_676 : memref<4x4096xf32, #tpu.memory_space<hbm>>)
    %mul3A_677 = arith.constant 2 : i32
    %mul3A_678 = arith.muli %mul3A_677, %select_n3A_32 : i32
    %add3A_679 = arith.constant 88 : i32
    %add3A_680 = arith.addi %mul3A_678, %add3A_679 : i32
    %dma_start3A_681 = arith.constant 0 : i32
    %dma_start3A_682 = tpu.memref_slice %arg2[%add3A_680, %mul3A_11, %dma_start3A_681] : memref<100x64x4096xf32, #tpu.memory_space<hbm>> -> memref<1x4x4096xf32, #tpu.memory_space<hbm>>
    %dma_start3A_683 = tpu.memref_squeeze %dma_start3A_682 : memref<1x4x4096xf32, #tpu.memory_space<hbm>> -> memref<4x4096xf32, #tpu.memory_space<hbm>>
    %dma_start3A_684 = arith.constant 0 : i32
    %dma_start3A_685 = tpu.memref_slice %arg2[%add3A_680, %mul3A_11, %dma_start3A_684] : memref<100x64x4096xf32, #tpu.memory_space<hbm>> -> memref<1x4x4096xf32, #tpu.memory_space<hbm>>
    %dma_start3A_686 = tpu.memref_squeeze %dma_start3A_685 : memref<1x4x4096xf32, #tpu.memory_space<hbm>> -> memref<4x4096xf32, #tpu.memory_space<hbm>>
    tpu.enqueue_dma source(%dma_start3A_686 : memref<4x4096xf32, #tpu.memory_space<hbm>>) target(%arg4 : memref<4x4096xf32, #tpu.memory_space<vmem>>) target_semaphore(%arg6 : memref<!tpu.dma_semaphore, #tpu.memory_space<semaphore_mem>>)
    %add3A_687 = arith.constant 42 : i32
    %add3A_688 = arith.addi %select_n3A_32, %add3A_687 : i32
    %dma_start3A_689 = arith.constant 0 : i32
    %dma_start3A_690 = tpu.memref_slice %arg3[%add3A_688, %mul3A_11, %dma_start3A_689] : memref<50x64x4096xf32, #tpu.memory_space<hbm>> -> memref<1x4x4096xf32, #tpu.memory_space<hbm>>
    %dma_start3A_691 = tpu.memref_squeeze %dma_start3A_690 : memref<1x4x4096xf32, #tpu.memory_space<hbm>> -> memref<4x4096xf32, #tpu.memory_space<hbm>>
    %dma_start3A_692 = arith.constant 0 : i32
    %dma_start3A_693 = tpu.memref_slice %arg3[%add3A_688, %mul3A_11, %dma_start3A_692] : memref<50x64x4096xf32, #tpu.memory_space<hbm>> -> memref<1x4x4096xf32, #tpu.memory_space<hbm>>
    %dma_start3A_694 = tpu.memref_squeeze %dma_start3A_693 : memref<1x4x4096xf32, #tpu.memory_space<hbm>> -> memref<4x4096xf32, #tpu.memory_space<hbm>>
    tpu.enqueue_dma source(%arg5 : memref<4x4096xf32, #tpu.memory_space<vmem>>) target(%dma_start3A_694 : memref<4x4096xf32, #tpu.memory_space<hbm>>) target_semaphore(%arg9 : memref<!tpu.dma_semaphore, #tpu.memory_space<semaphore_mem>>)
    %dma_wait3A_695 = arith.constant 0 : i32
    %dma_wait3A_696 = tpu.memref_slice %arg2[%add3A_680, %mul3A_11, %dma_wait3A_695] : memref<100x64x4096xf32, #tpu.memory_space<hbm>> -> memref<1x4x4096xf32, #tpu.memory_space<hbm>>
    %dma_wait3A_697 = tpu.memref_squeeze %dma_wait3A_696 : memref<1x4x4096xf32, #tpu.memory_space<hbm>> -> memref<4x4096xf32, #tpu.memory_space<hbm>>
    %dma_wait3A_698 = arith.constant 0 : i32
    %dma_wait3A_699 = tpu.memref_slice %arg2[%add3A_680, %mul3A_11, %dma_wait3A_698] : memref<100x64x4096xf32, #tpu.memory_space<hbm>> -> memref<1x4x4096xf32, #tpu.memory_space<hbm>>
    %dma_wait3A_700 = tpu.memref_squeeze %dma_wait3A_699 : memref<1x4x4096xf32, #tpu.memory_space<hbm>> -> memref<4x4096xf32, #tpu.memory_space<hbm>>
    tpu.wait_dma2 semaphore(%arg6 : memref<!tpu.dma_semaphore, #tpu.memory_space<semaphore_mem>>) src(%dma_wait3A_700 : memref<4x4096xf32, #tpu.memory_space<hbm>>) dst(%arg4 : memref<4x4096xf32, #tpu.memory_space<vmem>>)
    %dma_wait3A_701 = arith.constant 0 : i32
    %dma_wait3A_702 = tpu.memref_slice %arg3[%add3A_688, %mul3A_11, %dma_wait3A_701] : memref<50x64x4096xf32, #tpu.memory_space<hbm>> -> memref<1x4x4096xf32, #tpu.memory_space<hbm>>
    %dma_wait3A_703 = tpu.memref_squeeze %dma_wait3A_702 : memref<1x4x4096xf32, #tpu.memory_space<hbm>> -> memref<4x4096xf32, #tpu.memory_space<hbm>>
    %dma_wait3A_704 = arith.constant 0 : i32
    %dma_wait3A_705 = tpu.memref_slice %arg3[%add3A_688, %mul3A_11, %dma_wait3A_704] : memref<50x64x4096xf32, #tpu.memory_space<hbm>> -> memref<1x4x4096xf32, #tpu.memory_space<hbm>>
    %dma_wait3A_706 = tpu.memref_squeeze %dma_wait3A_705 : memref<1x4x4096xf32, #tpu.memory_space<hbm>> -> memref<4x4096xf32, #tpu.memory_space<hbm>>
    tpu.wait_dma2 semaphore(%arg9 : memref<!tpu.dma_semaphore, #tpu.memory_space<semaphore_mem>>) src(%arg5 : memref<4x4096xf32, #tpu.memory_space<vmem>>) dst(%dma_wait3A_706 : memref<4x4096xf32, #tpu.memory_space<hbm>>)
    %mul3A_707 = arith.constant 2 : i32
    %mul3A_708 = arith.muli %mul3A_707, %select_n3A_32 : i32
    %add3A_709 = arith.constant 92 : i32
    %add3A_710 = arith.addi %mul3A_708, %add3A_709 : i32
    %dma_start3A_711 = arith.constant 0 : i32
    %dma_start3A_712 = tpu.memref_slice %arg2[%add3A_710, %mul3A_11, %dma_start3A_711] : memref<100x64x4096xf32, #tpu.memory_space<hbm>> -> memref<1x4x4096xf32, #tpu.memory_space<hbm>>
    %dma_start3A_713 = tpu.memref_squeeze %dma_start3A_712 : memref<1x4x4096xf32, #tpu.memory_space<hbm>> -> memref<4x4096xf32, #tpu.memory_space<hbm>>
    %dma_start3A_714 = arith.constant 0 : i32
    %dma_start3A_715 = tpu.memref_slice %arg2[%add3A_710, %mul3A_11, %dma_start3A_714] : memref<100x64x4096xf32, #tpu.memory_space<hbm>> -> memref<1x4x4096xf32, #tpu.memory_space<hbm>>
    %dma_start3A_716 = tpu.memref_squeeze %dma_start3A_715 : memref<1x4x4096xf32, #tpu.memory_space<hbm>> -> memref<4x4096xf32, #tpu.memory_space<hbm>>
    tpu.enqueue_dma source(%dma_start3A_716 : memref<4x4096xf32, #tpu.memory_space<hbm>>) target(%arg5 : memref<4x4096xf32, #tpu.memory_space<vmem>>) target_semaphore(%arg7 : memref<!tpu.dma_semaphore, #tpu.memory_space<semaphore_mem>>)
    %add3A_717 = arith.constant 44 : i32
    %add3A_718 = arith.addi %select_n3A_32, %add3A_717 : i32
    %dma_start3A_719 = arith.constant 0 : i32
    %dma_start3A_720 = tpu.memref_slice %arg3[%add3A_718, %mul3A_11, %dma_start3A_719] : memref<50x64x4096xf32, #tpu.memory_space<hbm>> -> memref<1x4x4096xf32, #tpu.memory_space<hbm>>
    %dma_start3A_721 = tpu.memref_squeeze %dma_start3A_720 : memref<1x4x4096xf32, #tpu.memory_space<hbm>> -> memref<4x4096xf32, #tpu.memory_space<hbm>>
    %dma_start3A_722 = arith.constant 0 : i32
    %dma_start3A_723 = tpu.memref_slice %arg3[%add3A_718, %mul3A_11, %dma_start3A_722] : memref<50x64x4096xf32, #tpu.memory_space<hbm>> -> memref<1x4x4096xf32, #tpu.memory_space<hbm>>
    %dma_start3A_724 = tpu.memref_squeeze %dma_start3A_723 : memref<1x4x4096xf32, #tpu.memory_space<hbm>> -> memref<4x4096xf32, #tpu.memory_space<hbm>>
    tpu.enqueue_dma source(%arg4 : memref<4x4096xf32, #tpu.memory_space<vmem>>) target(%dma_start3A_724 : memref<4x4096xf32, #tpu.memory_space<hbm>>) target_semaphore(%arg8 : memref<!tpu.dma_semaphore, #tpu.memory_space<semaphore_mem>>)
    %dma_wait3A_725 = arith.constant 0 : i32
    %dma_wait3A_726 = tpu.memref_slice %arg2[%add3A_710, %mul3A_11, %dma_wait3A_725] : memref<100x64x4096xf32, #tpu.memory_space<hbm>> -> memref<1x4x4096xf32, #tpu.memory_space<hbm>>
    %dma_wait3A_727 = tpu.memref_squeeze %dma_wait3A_726 : memref<1x4x4096xf32, #tpu.memory_space<hbm>> -> memref<4x4096xf32, #tpu.memory_space<hbm>>
    %dma_wait3A_728 = arith.constant 0 : i32
    %dma_wait3A_729 = tpu.memref_slice %arg2[%add3A_710, %mul3A_11, %dma_wait3A_728] : memref<100x64x4096xf32, #tpu.memory_space<hbm>> -> memref<1x4x4096xf32, #tpu.memory_space<hbm>>
    %dma_wait3A_730 = tpu.memref_squeeze %dma_wait3A_729 : memref<1x4x4096xf32, #tpu.memory_space<hbm>> -> memref<4x4096xf32, #tpu.memory_space<hbm>>
    tpu.wait_dma2 semaphore(%arg7 : memref<!tpu.dma_semaphore, #tpu.memory_space<semaphore_mem>>) src(%dma_wait3A_730 : memref<4x4096xf32, #tpu.memory_space<hbm>>) dst(%arg5 : memref<4x4096xf32, #tpu.memory_space<vmem>>)
    %dma_wait3A_731 = arith.constant 0 : i32
    %dma_wait3A_732 = tpu.memref_slice %arg3[%add3A_718, %mul3A_11, %dma_wait3A_731] : memref<50x64x4096xf32, #tpu.memory_space<hbm>> -> memref<1x4x4096xf32, #tpu.memory_space<hbm>>
    %dma_wait3A_733 = tpu.memref_squeeze %dma_wait3A_732 : memref<1x4x4096xf32, #tpu.memory_space<hbm>> -> memref<4x4096xf32, #tpu.memory_space<hbm>>
    %dma_wait3A_734 = arith.constant 0 : i32
    %dma_wait3A_735 = tpu.memref_slice %arg3[%add3A_718, %mul3A_11, %dma_wait3A_734] : memref<50x64x4096xf32, #tpu.memory_space<hbm>> -> memref<1x4x4096xf32, #tpu.memory_space<hbm>>
    %dma_wait3A_736 = tpu.memref_squeeze %dma_wait3A_735 : memref<1x4x4096xf32, #tpu.memory_space<hbm>> -> memref<4x4096xf32, #tpu.memory_space<hbm>>
    tpu.wait_dma2 semaphore(%arg8 : memref<!tpu.dma_semaphore, #tpu.memory_space<semaphore_mem>>) src(%arg4 : memref<4x4096xf32, #tpu.memory_space<vmem>>) dst(%dma_wait3A_736 : memref<4x4096xf32, #tpu.memory_space<hbm>>)
    %mul3A_737 = arith.constant 2 : i32
    %mul3A_738 = arith.muli %mul3A_737, %select_n3A_32 : i32
    %add3A_739 = arith.constant 96 : i32
    %add3A_740 = arith.addi %mul3A_738, %add3A_739 : i32
    %dma_start3A_741 = arith.constant 0 : i32
    %dma_start3A_742 = tpu.memref_slice %arg2[%add3A_740, %mul3A_11, %dma_start3A_741] : memref<100x64x4096xf32, #tpu.memory_space<hbm>> -> memref<1x4x4096xf32, #tpu.memory_space<hbm>>
    %dma_start3A_743 = tpu.memref_squeeze %dma_start3A_742 : memref<1x4x4096xf32, #tpu.memory_space<hbm>> -> memref<4x4096xf32, #tpu.memory_space<hbm>>
    %dma_start3A_744 = arith.constant 0 : i32
    %dma_start3A_745 = tpu.memref_slice %arg2[%add3A_740, %mul3A_11, %dma_start3A_744] : memref<100x64x4096xf32, #tpu.memory_space<hbm>> -> memref<1x4x4096xf32, #tpu.memory_space<hbm>>
    %dma_start3A_746 = tpu.memref_squeeze %dma_start3A_745 : memref<1x4x4096xf32, #tpu.memory_space<hbm>> -> memref<4x4096xf32, #tpu.memory_space<hbm>>
    tpu.enqueue_dma source(%dma_start3A_746 : memref<4x4096xf32, #tpu.memory_space<hbm>>) target(%arg4 : memref<4x4096xf32, #tpu.memory_space<vmem>>) target_semaphore(%arg6 : memref<!tpu.dma_semaphore, #tpu.memory_space<semaphore_mem>>)
    %add3A_747 = arith.constant 46 : i32
    %add3A_748 = arith.addi %select_n3A_32, %add3A_747 : i32
    %dma_start3A_749 = arith.constant 0 : i32
    %dma_start3A_750 = tpu.memref_slice %arg3[%add3A_748, %mul3A_11, %dma_start3A_749] : memref<50x64x4096xf32, #tpu.memory_space<hbm>> -> memref<1x4x4096xf32, #tpu.memory_space<hbm>>
    %dma_start3A_751 = tpu.memref_squeeze %dma_start3A_750 : memref<1x4x4096xf32, #tpu.memory_space<hbm>> -> memref<4x4096xf32, #tpu.memory_space<hbm>>
    %dma_start3A_752 = arith.constant 0 : i32
    %dma_start3A_753 = tpu.memref_slice %arg3[%add3A_748, %mul3A_11, %dma_start3A_752] : memref<50x64x4096xf32, #tpu.memory_space<hbm>> -> memref<1x4x4096xf32, #tpu.memory_space<hbm>>
    %dma_start3A_754 = tpu.memref_squeeze %dma_start3A_753 : memref<1x4x4096xf32, #tpu.memory_space<hbm>> -> memref<4x4096xf32, #tpu.memory_space<hbm>>
    tpu.enqueue_dma source(%arg5 : memref<4x4096xf32, #tpu.memory_space<vmem>>) target(%dma_start3A_754 : memref<4x4096xf32, #tpu.memory_space<hbm>>) target_semaphore(%arg9 : memref<!tpu.dma_semaphore, #tpu.memory_space<semaphore_mem>>)
    %dma_wait3A_755 = arith.constant 0 : i32
    %dma_wait3A_756 = tpu.memref_slice %arg2[%add3A_740, %mul3A_11, %dma_wait3A_755] : memref<100x64x4096xf32, #tpu.memory_space<hbm>> -> memref<1x4x4096xf32, #tpu.memory_space<hbm>>
    %dma_wait3A_757 = tpu.memref_squeeze %dma_wait3A_756 : memref<1x4x4096xf32, #tpu.memory_space<hbm>> -> memref<4x4096xf32, #tpu.memory_space<hbm>>
    %dma_wait3A_758 = arith.constant 0 : i32
    %dma_wait3A_759 = tpu.memref_slice %arg2[%add3A_740, %mul3A_11, %dma_wait3A_758] : memref<100x64x4096xf32, #tpu.memory_space<hbm>> -> memref<1x4x4096xf32, #tpu.memory_space<hbm>>
    %dma_wait3A_760 = tpu.memref_squeeze %dma_wait3A_759 : memref<1x4x4096xf32, #tpu.memory_space<hbm>> -> memref<4x4096xf32, #tpu.memory_space<hbm>>
    tpu.wait_dma2 semaphore(%arg6 : memref<!tpu.dma_semaphore, #tpu.memory_space<semaphore_mem>>) src(%dma_wait3A_760 : memref<4x4096xf32, #tpu.memory_space<hbm>>) dst(%arg4 : memref<4x4096xf32, #tpu.memory_space<vmem>>)
    %add3A_761 = arith.constant 48 : i32
    %add3A_762 = arith.addi %select_n3A_32, %add3A_761 : i32
    %dma_start3A_763 = arith.constant 0 : i32
    %dma_start3A_764 = tpu.memref_slice %arg3[%add3A_762, %mul3A_11, %dma_start3A_763] : memref<50x64x4096xf32, #tpu.memory_space<hbm>> -> memref<1x4x4096xf32, #tpu.memory_space<hbm>>
    %dma_start3A_765 = tpu.memref_squeeze %dma_start3A_764 : memref<1x4x4096xf32, #tpu.memory_space<hbm>> -> memref<4x4096xf32, #tpu.memory_space<hbm>>
    %dma_start3A_766 = arith.constant 0 : i32
    %dma_start3A_767 = tpu.memref_slice %arg3[%add3A_762, %mul3A_11, %dma_start3A_766] : memref<50x64x4096xf32, #tpu.memory_space<hbm>> -> memref<1x4x4096xf32, #tpu.memory_space<hbm>>
    %dma_start3A_768 = tpu.memref_squeeze %dma_start3A_767 : memref<1x4x4096xf32, #tpu.memory_space<hbm>> -> memref<4x4096xf32, #tpu.memory_space<hbm>>
    tpu.enqueue_dma source(%arg4 : memref<4x4096xf32, #tpu.memory_space<vmem>>) target(%dma_start3A_768 : memref<4x4096xf32, #tpu.memory_space<hbm>>) target_semaphore(%arg8 : memref<!tpu.dma_semaphore, #tpu.memory_space<semaphore_mem>>)
    %dma_wait3A_769 = arith.constant 0 : i32
    %dma_wait3A_770 = tpu.memref_slice %arg3[%add3A_748, %mul3A_11, %dma_wait3A_769] : memref<50x64x4096xf32, #tpu.memory_space<hbm>> -> memref<1x4x4096xf32, #tpu.memory_space<hbm>>
    %dma_wait3A_771 = tpu.memref_squeeze %dma_wait3A_770 : memref<1x4x4096xf32, #tpu.memory_space<hbm>> -> memref<4x4096xf32, #tpu.memory_space<hbm>>
    %dma_wait3A_772 = arith.constant 0 : i32
    %dma_wait3A_773 = tpu.memref_slice %arg3[%add3A_748, %mul3A_11, %dma_wait3A_772] : memref<50x64x4096xf32, #tpu.memory_space<hbm>> -> memref<1x4x4096xf32, #tpu.memory_space<hbm>>
    %dma_wait3A_774 = tpu.memref_squeeze %dma_wait3A_773 : memref<1x4x4096xf32, #tpu.memory_space<hbm>> -> memref<4x4096xf32, #tpu.memory_space<hbm>>
    tpu.wait_dma2 semaphore(%arg9 : memref<!tpu.dma_semaphore, #tpu.memory_space<semaphore_mem>>) src(%arg5 : memref<4x4096xf32, #tpu.memory_space<vmem>>) dst(%dma_wait3A_774 : memref<4x4096xf32, #tpu.memory_space<hbm>>)
    %dma_wait3A_775 = arith.constant 0 : i32
    %dma_wait3A_776 = tpu.memref_slice %arg3[%add3A_762, %mul3A_11, %dma_wait3A_775] : memref<50x64x4096xf32, #tpu.memory_space<hbm>> -> memref<1x4x4096xf32, #tpu.memory_space<hbm>>
    %dma_wait3A_777 = tpu.memref_squeeze %dma_wait3A_776 : memref<1x4x4096xf32, #tpu.memory_space<hbm>> -> memref<4x4096xf32, #tpu.memory_space<hbm>>
    %dma_wait3A_778 = arith.constant 0 : i32
    %dma_wait3A_779 = tpu.memref_slice %arg3[%add3A_762, %mul3A_11, %dma_wait3A_778] : memref<50x64x4096xf32, #tpu.memory_space<hbm>> -> memref<1x4x4096xf32, #tpu.memory_space<hbm>>
    %dma_wait3A_780 = tpu.memref_squeeze %dma_wait3A_779 : memref<1x4x4096xf32, #tpu.memory_space<hbm>> -> memref<4x4096xf32, #tpu.memory_space<hbm>>
    tpu.wait_dma2 semaphore(%arg8 : memref<!tpu.dma_semaphore, #tpu.memory_space<semaphore_mem>>) src(%arg4 : memref<4x4096xf32, #tpu.memory_space<vmem>>) dst(%dma_wait3A_780 : memref<4x4096xf32, #tpu.memory_space<hbm>>)
    return
  }
}

</mosaic_0001>

<sc_bundles>
// kernel: kernel.3.cloned.1.call-start
scs
__scs_entry_jumppad:
0x0: {  	(pc) =	sbr.rel $0x88, $3  }
0x1: {  	(tag) =	ssettag $0x0;
	lr =	simm.s32 $0x1  }
0x2: {  	[smem:$0x3FA0] =	sst lr;
	_ =	strace $0xD0000000  }
0x3: {  	_ = 	snop  }
0x4: {  	_ = 	snop  }
0x5: {  	_ = 	snop  }
0x6: {  	_ = 	snop  }
0x7: {  	_ = 	snop  }
__scs_overlays_trampoline_lowered:
0x8: {  	[smem:$0x3FAF] =	sst s0  }
0x9: {  	[smem:$0x3FB0] =	sst s1  }
0xa: {  	[smem:$0x3FB1] =	sst s2  }
0xb: {  	[smem:$0x3FB2] =	sst s3  }
0xc: {  	[smem:$0x3FB3] =	sst s4  }
0xd: {  	[smem:$0x3FB4] =	sst s5  }
0xe: {  	[smem:$0x3FB5] =	sst s6  }
0xf: {  	[smem:$0x3FB6] =	sst s7  }
0x10: {  	[smem:$0x3FB7] =	sst s8  }
0x11: {  	[smem:$0x3FB8] =	sst s9;
	s0 =	simm.s32 @!p0 $0x0  }
0x12: {  	s1 =	sld [smem:$0x3F9E];
	s0 =	simm.s32 @p0 $0x1  }
0x13: {  	[smem:$0x3FB9] =	sst s0;
	s0 =	simm.s32 @!p1 $0x0  }
0x14: {  	s2 =	sld [smem:$0x3F9D];
	s0 =	simm.s32 @p1 $0x1  }
0x15: {  	[smem:$0x3FBA] =	sst s0;
	s0 =	simm.s32 @!p2 $0x0  }
0x16: {  	s3 =	sld [smem:$0x3FDB];
	s0 =	simm.s32 @p2 $0x1  }
0x17: {  	s4 =	simm.s32 $0x1BF5;
	[smem:$0x3FBC] =	sst s0  }
0x18: {  	s0 =	sld [smem:$0x3F9F];
	_ =	swait.ge [sflag:s4], $0x0  }
0x19: {  	s7 =	sld [smem:$0x3FA0]  }
0x1a: {  	s8 =	sadd.s32 $0xFFFFE003, lr  }
0x1b: {  	s9 =	sadd.s32 $0xFFFFFEF7, lr;
	s5 =	simm.s32 $0xFFFFFFFF;
	p2 =	slt.u32 s8, $0xFFFFF086  }
0x1c: {  	p1 =	slt.u32 s9, $0xF7A;
	s5 =	simm.s32 @!p2 $0x0  }
0x1d: {  	s5 =	simm.s32 @p1 $0x1;
	p0 =	seq.s32 s7, s2  }
0x1e: {  	s7 =	smul.u32 @!p0 $0xF7A, s2;
	p2 =	seq.s32 @!p0 s5, $0x0  }
0x1f: {  	s9 =	smul.u32 $0xF7A, s1;
	s8 =	simm.s32 @!p0 $0x1BF5;
	p2 =	por !p2, p0  }
0x20: {  	[sflag:s8] =	ssyncset.s32 @!p0 $0xFFFFF086;
	s6 =	sadd.s32 @!p0 s3, s7;
	s7 =	simm.s32 @!p0 $0x108  }
0x21: {  	s3 =	sadd.s32 s3, s9;
	s6 =	sadd.s32 @!p0 $0x88, s6;
	s7 =	simm.s32 @p2 $0x1082  }
0x22: {  	[simem:s7], [sflag:s8] =	dma.local @!p0 [hbm:s6], $0xF7A  }
0x23: {  	s9 =	sor.u32 $0xD0000000, s2;
	s6 =	simm.s32 $0x108;
	_ =	swait.ge @!p0 [sflag:s8], $0x0  }
0x24: {  	s3 =	sadd.s32 $0x88, s3;
	s6 =	simm.s32 @!p1 $0x1082;
	[sflag:s4] =	ssyncset.s32 $0xFFFFF086  }
0x25: {  	[simem:s6], [sflag:s4] =	dma.local [hbm:s3], $0xF7A  }
0x26: {  	[smem:$0x3FA0] =	sst s1;
	(tag) =	ssettag s2;
	_ =	strace s9  }
0x27: {  	s1 =	sld [smem:$0x3FB0]  }
0x28: {  	s2 =	sld [smem:$0x3FB1]  }
0x29: {  	s4 =	sld [smem:$0x3FB3]  }
0x2a: {  	p0 =	seq.s32 s5, $0x0;
	s5 =	sld [smem:$0x3FB4]  }
0x2b: {  	s6 =	sld [smem:$0x3FB5]  }
0x2c: {  	s7 =	sld [smem:$0x3FB6]  }
0x2d: {  	s3 =	simm.s32 $0x108;
	s8 =	sld [smem:$0x3FB7]  }
0x2e: {  	s3 =	simm.s32 @!p0 $0x1082;
	s9 =	sld [smem:$0x3FB8]  }
0x2f: {  	lr =	sadd.s32 s0, s3;
	s0 =	sld [smem:$0x3FAF]  }
0x30: {  	s3 =	sld [smem:$0x3FB2]  }
0x31: {  	[smem:$0x3FBB] =	sst s10  }
0x32: {  	s10 =	sld [smem:$0x3FB9];
	_ =	sdelay $0x3  }
0x33: {  	p0 =	seq.s32 s10, $0x1;
	s10 =	sld [smem:$0x3FBB];
	_ =	sdelay $0x3  }
0x34: {  	[smem:$0x3FBB] =	sst s10  }
0x35: {  	s10 =	sld [smem:$0x3FBA];
	_ =	sdelay $0x3  }
0x36: {  	p1 =	seq.s32 s10, $0x1;
	s10 =	sld [smem:$0x3FBB];
	_ =	sdelay $0x3  }
0x37: {  	[smem:$0x3FBB] =	sst s10  }
0x38: {  	s10 =	sld [smem:$0x3FBC]  }
0x39: {  	_ = 	snop;
	(pc) =	sbr.ind lr, $3  }
0x3a: {  	_ = 	snop  }
0x3b: {  	_ = 	snop  }
0x3c: {  	p2 =	seq.s32 s10, $0x1;
	s10 =	sld [smem:$0x3FBB]  }
0x3d: {  	_ =	shalt  }
0x3e: {  	_ =	shalt  }
0x3f: {  	_ =	shalt  }
0x40: {  	_ =	shalt  }
0x41: {  	_ =	shalt  }
0x42: {  	_ =	shalt  }
0x43: {  	_ =	shalt  }
0x44: {  	_ =	shalt  }
0x45: {  	_ =	shalt  }
0x46: {  	_ =	shalt  }
0x47: {  	_ =	shalt  }
0x48: {  	_ =	shalt  }
0x49: {  	_ =	shalt  }
0x4a: {  	_ =	shalt  }
0x4b: {  	_ =	shalt  }
0x4c: {  	_ =	shalt  }
0x4d: {  	_ =	shalt  }
0x4e: {  	_ =	shalt  }
0x4f: {  	_ =	shalt  }
0x50: {  	_ =	shalt  }
0x51: {  	_ =	shalt  }
0x52: {  	_ =	shalt  }
0x53: {  	_ =	shalt  }
0x54: {  	_ =	shalt  }
0x55: {  	_ =	shalt  }
0x56: {  	_ =	shalt  }
0x57: {  	_ =	shalt  }
0x58: {  	_ =	shalt  }
0x59: {  	_ =	shalt  }
0x5a: {  	_ =	shalt  }
0x5b: {  	_ =	shalt  }
0x5c: {  	_ =	shalt  }
0x5d: {  	_ =	shalt  }
0x5e: {  	_ =	shalt  }
0x5f: {  	_ =	shalt  }
0x60: {  	_ =	shalt  }
0x61: {  	_ =	shalt  }
0x62: {  	_ =	shalt  }
0x63: {  	_ =	shalt  }
0x64: {  	_ =	shalt  }
0x65: {  	_ =	shalt  }
0x66: {  	_ =	shalt  }
0x67: {  	_ =	shalt  }
0x68: {  	_ =	shalt  }
0x69: {  	_ =	shalt  }
0x6a: {  	_ =	shalt  }
0x6b: {  	_ =	shalt  }
0x6c: {  	_ =	shalt  }
0x6d: {  	_ =	shalt  }
0x6e: {  	_ =	shalt  }
0x6f: {  	_ =	shalt  }
0x70: {  	_ =	shalt  }
0x71: {  	_ =	shalt  }
0x72: {  	_ =	shalt  }
0x73: {  	_ =	shalt  }
0x74: {  	_ =	shalt  }
0x75: {  	_ =	shalt  }
0x76: {  	_ =	shalt  }
0x77: {  	_ =	shalt  }
0x78: {  	_ =	shalt  }
0x79: {  	_ =	shalt  }
0x7a: {  	_ =	shalt  }
0x7b: {  	_ =	shalt  }
0x7c: {  	_ =	shalt  }
0x7d: {  	_ =	shalt  }
0x7e: {  	_ =	shalt  }
0x7f: {  	_ =	shalt  }
0x80: {  	_ =	shalt  }
0x81: {  	_ =	shalt  }
0x82: {  	_ =	shalt  }
0x83: {  	_ =	shalt  }
0x84: {  	_ =	shalt  }
0x85: {  	_ =	shalt  }
0x86: {  	_ =	shalt  }
0x87: {  	_ =	shalt  }
.Lfunc_end0:
.L_simem_size_0:
called_computation_lowered:
.L_overlay_start_0:
0x88: {  	s2 =	sld [smem:$0x3FD9]  }
0x89: {  	s3 =	sld [smem:$0x3FFE];
	_ =	sdelay $0x1  }
0x8a: {  	s1 =	srdreg.scid  }
0x8b: {  	s0 =	sand.u32 $0x1, s1  }
0x8c: {  	s18 =	sshll.u32 s0, $0xA;
	s2 =	sadd.s32 s3, s2  }
0x8d: {  	s2 =	sadd.s32 s2, s18  }
0x8e: {  	[smem:$0x3FC7] =	sst s2  }
0x8f: {  	_ = 	snop  }
0x90: {  	s2 =	sld [smem:$0x3FC9]  }
0x91: {  	s19 =	sld [smem:$0x3FD0];
	(tm) =	ssettm $0x1  }
0x92: {  	s4 =	sld [smem:$0x3FFB];
	_ =	sdelay $0x3  }
0x93: {  	_ =	strace s4  }
0x94: {  	s4 =	sld [smem:$0x3FFC];
	_ =	sdelay $0x3  }
0x95: {  	_ =	strace s4  }
0x96: {  	s4 =	sld [smem:$0x3FFD];
	_ =	sdelay $0x3  }
0x97: {  	_ =	strace s4  }
0x98: {  	_ =	strace $0x8FFFFFFF  }
0x99: {  	s20 =	sld [smem:$0x3FDB];
	_ =	sdelay $0x1  }
0x9a: {  	s5 =	simm.s32 $_scs_section_size  }
0x9b: {  	s6 =	simm.s32 $_size__tile_overlayer_lowered;
	s7 =	simm.s32 $_tile_overlayer_lowered  }
0x9c: {  	s23 =	simm.s32 $0x1BFF;
	s22 =	sshll.u32 s7, $0x1;
	s4 =	sadd.s32 s5, s20  }
0x9d: {  	s8 =	simm.s32 $0x0;
	s21 =	sshll.u32 s6, $0x1;
	s6 =	sadd.s32 s22, s4  }
0x9e: {  	[timem:s8], [sflag:s23] =	dma.local [hbm:s6], s21  }
0x9f: {  	_ =	swait.ge [sflag:s23], s21  }
0xa0: {  	s5 =	ssub.s32 $0x0, s21;
	[sflag:s23] =	ssyncset.done $0x0  }
0xa1: {  	[sflag:s23] =	ssyncadd.s32 s5;
	_ =	sdelay $0x1  }
0xa2: {  	s24 =	simm.s32 $0x1B8B  }
0xa3: {  	_ =	swait.ge [sflag:s24], $0x1  }
0xa4: {  	[sflag:s24] =	ssyncset.done $0x0  }
0xa5: {  	s25 =	simm.s32 $0x1B8E;
	[sflag:s24] =	ssyncadd.s32 $0xFFFFFFFF  }
0xa6: {  	s26 =	simm.s32 $execute0_lowered;
	[smem:$0x3FD2] =	sst s25  }
0xa7: {  	s5 =	sshll.u32 s26, $0x1;
	_ =	strace $0x80000046;
	[dreg:$0x1] =	wrdreg $0xFFFFFFFF  }
0xa8: {  	s28 =	simm.s32 $_size_execute0_lowered;
	s4 =	sadd.s32 s4, s5;
	[dreg:$0x0] =	wrdreg $0x0  }
0xa9: {  	s5 =	sshll.u32 s28, $0x1;
	[dreg:$0x2] =	wrdreg s4  }
0xaa: {  	[dreg:$0x3] =	wrdreg s5  }
0xab: {  	[dreg:$0x4] =	wrdreg $0xC0  }
0xac: {  	_ =	task [dreg:s8], $0x5FFFF  }
0xad: {  	[dreg:$0x1] =	wrdreg $0xFFFFFFFF  }
0xae: {  	[dreg:$0x0] =	wrdreg $0x60  }
0xaf: {  	[dreg:$0x2] =	wrdreg s2  }
0xb0: {  	[dreg:$0x3] =	wrdreg s19  }
0xb1: {  	[dreg:$0x4] =	wrdreg $0x9  }
0xb2: {  	_ =	task.clear_ibuf [dreg:s8], $0x5FFFF;
	_ =	strace $0x90000046  }
0xb3: {  	s29 =	simm.s32 $0x9;
	_ =	strace $0x80000048  }
0xb4: {  	_ =	swait.ge [sflag:s29], $0x1  }
0xb5: {  	[sflag:s29] =	ssyncadd.s32 $0xFFFFFFFF  }
0xb6: {  	_ =	strace $0x90000048  }
0xb7: {  	_ =	sfence  }
0xb8: {  	s30 =	sld [smem:$0x0];
	_ =	sdelay $0x2  }
0xb9: {  	s31 =	sshll.u32 s1, $0xD;
	s1 =	sshrl.u32 s1, $0x2  }
0xba: {  	s3 =	sand.u32 $0x4000, s31;
	s1 =	sadd.s32 s1, s30  }
0xbb: {  	s0 =	sor.u32 s3, s0;
	s1 =	sshll.u32 s1, $0x11  }
0xbc: {  	s0 =	sor.u32 s1, s0  }
0xbd: {  	s0 =	sadd.s32 $0x8F2B, s0  }
0xbe: {  	[sflag:s0] =	ssyncadd.remote.s32 $0x1  }
0xbf: {  	_ =	sfence.sel $0xFFFF  }
0xc0: {  	[dreg:$0x0] =	wrdreg $0xFFFFFFFF;
	(pc) =	sbr.abs _section_cstart, $3  }
0xc1: {  	[dreg:$0x1] =	wrdreg $0xFFFFFFFF  }
0xc2: {  	_ =	task.clear_ibuf [dreg:s8], $0x2FFFF;
	_ =	strace $0x9FFFFFFF  }
0xc3: {  	(tm) =	ssettm $0x7FFFFFFF  }
tec
execute0_lowered:
.L_overlay_start_1:
0x0: {  	(tag) =	ssettag $0x1  }
0x1: {  	s0 =	stileid.u32  }
0x2: {  	s1 =	srdreg.scid;
	s2 =	sshrl.u32 s0, $0x3;
	s4 =	sshll.u32 s0, $0xF  }
0x3: {  	s1 =	sand.u32 $0x1, s1;
	s5 =	sshll.u32 s2, $0x13;
	s4 =	sand.u32 $0x38000, s4  }
0x4: {  	s3 =	rddreg [dreg:$0x0];
	s7 =	sshll.u32 s1, $0x9;
	s5 =	sor.u32 s4, s5  }
0x5: {  	s6 =	rddreg [dreg:$0x1];
	s8 =	sshll.u32 s2, $0x12;
	s5 =	sor.u32 s7, s5  }
0x6: {  	s2 =	simm.s32 $0x0;
	s4 =	sor.u32 s4, s8;
	s5 =	sshrl.u32 s5, $0x3  }
0x7: {  	[smem:$0x7FF] =	sst s2;
	s4 =	sor.u32 s7, s4;
	s0 =	sadd.s32 s3, s5  }
0x8: {  	_ =	strace $0x80000047;
	s4 =	sshrl.u32 s4, $0x3;
	s5 =	sadd.s32 $0x20000, s0  }
0x9: {  	s3 =	sadd.s32 s6, s4;
	s9 =	sadd.s32 $0x40000, s0;
	[dreg:$0x3] =	wrdreg s5  }
0xa: {  	s10 =	sadd.s32 $0x10000, s3;
	[dreg:$0x4] =	wrdreg s9  }
0xb: {  	s11 =	sadd.s32 $0x60000, s0;
	[dreg:$0x5] =	wrdreg s10  }
0xc: {  	s12 =	sadd.s32 $0x20000, s3;
	[dreg:$0x6] =	wrdreg s11  }
0xd: {  	s13 =	sadd.s32 $0x80000, s0;
	[dreg:$0x7] =	wrdreg s12  }
0xe: {  	s14 =	sadd.s32 $0x30000, s3;
	[dreg:$0x8] =	wrdreg s13  }
0xf: {  	s15 =	sadd.s32 $0xA0000, s0;
	[dreg:$0x9] =	wrdreg s14  }
0x10: {  	s16 =	sadd.s32 $0x40000, s3;
	[dreg:$0xa] =	wrdreg s15  }
0x11: {  	s17 =	sadd.s32 $0xC0000, s0;
	[dreg:$0xb] =	wrdreg s16  }
0x12: {  	s18 =	sadd.s32 $0x50000, s3;
	[dreg:$0xc] =	wrdreg s17  }
0x13: {  	s19 =	sadd.s32 $0xE0000, s0;
	[dreg:$0xd] =	wrdreg s18  }
0x14: {  	s20 =	sadd.s32 $0x60000, s3;
	[dreg:$0xe] =	wrdreg s19  }
0x15: {  	s21 =	sadd.s32 $0x100000, s0;
	[dreg:$0xf] =	wrdreg s20  }
0x16: {  	s22 =	sadd.s32 $0x70000, s3;
	[dreg:$0x10] =	wrdreg s21  }
0x17: {  	s23 =	sadd.s32 $0x120000, s0;
	[dreg:$0x11] =	wrdreg s22  }
0x18: {  	s24 =	sadd.s32 $0x80000, s3;
	[dreg:$0x12] =	wrdreg s23  }
0x19: {  	s25 =	sadd.s32 $0x140000, s0;
	[dreg:$0x13] =	wrdreg s24  }
0x1a: {  	s26 =	sadd.s32 $0x90000, s3;
	[dreg:$0x14] =	wrdreg s25  }
0x1b: {  	s4 =	sadd.s32 $0x160000, s0;
	[dreg:$0x15] =	wrdreg s26  }
0x1c: {  	s6 =	sadd.s32 $0xA0000, s3;
	[dreg:$0x16] =	wrdreg s4  }
0x1d: {  	s7 =	sadd.s32 $0x180000, s0;
	[dreg:$0x17] =	wrdreg s6  }
0x1e: {  	s8 =	sadd.s32 $0xB0000, s3;
	[dreg:$0x18] =	wrdreg s7  }
0x1f: {  	[dreg:$0x19] =	wrdreg s8;
	s9 =	sadd.s32 $0x1A0000, s0  }
0x20: {  	s10 =	sadd.s32 $0xC0000, s3;
	[dreg:$0x1a] =	wrdreg s9  }
0x21: {  	s11 =	sadd.s32 $0x1C0000, s0;
	[dreg:$0x1b] =	wrdreg s10  }
0x22: {  	s12 =	sadd.s32 $0xD0000, s3;
	[dreg:$0x1c] =	wrdreg s11  }
0x23: {  	s13 =	sadd.s32 $0x1E0000, s0;
	[dreg:$0x1d] =	wrdreg s12  }
0x24: {  	s14 =	sadd.s32 $0xE0000, s3;
	s5 =	simm.s32 $0x200;
	[dreg:$0x1e] =	wrdreg s13  }
0x25: {  	s6 =	simm.s32 $0x400;
	s7 =	simm.s32 $0x1;
	[dreg:$0x1f] =	wrdreg s14  }
0x26: {  	[tilespmem:s2], [sflag:$0x1] =	stream.strided.gather [hbm4b:s0+s5], $0x4000, s6, s5, $0x38;
	[tilespmem:$0x8000] =	vst v63  }
0x27: {  	_ =	swait.ge [sflag:s7], $0x4000  }
0x28: {  	[sflag:s7] =	ssyncset.done $0x0  }
0x29: {  	s8 =	simm.s32 $0x4000;
	s9 =	rddreg [dreg:$0x3];
	[sflag:s7] =	ssyncadd.s32 $0xFFFFC000  }
0x2a: {  	[tilespmem:s8], [sflag:$0x2] =	stream.strided.gather [hbm4b:s9+s5], $0x4000, s6, s5, $0x38;
	[tilespmem:$0x8000] =	vst v63  }
0x2b: {  	s9 =	simm.s32 $0x2  }
0x2c: {  	[hbm4b:s3+s5] =	stream.strided.scatter [tilespmem:s2], [sflag:$0x3], $0x4000, s6, s5, $0x38;
	[tilespmem:$0x8000] =	vst v63  }
0x2d: {  	_ =	swait.ge [sflag:s9], $0x4000  }
0x2e: {  	[sflag:s9] =	ssyncset.done $0x0  }
0x2f: {  	s10 =	simm.s32 $0x3;
	[sflag:s9] =	ssyncadd.s32 $0xFFFFC000  }
0x30: {  	_ =	swait.ge [sflag:s10], $0x4000  }
0x31: {  	[sflag:s10] =	ssyncset.done $0x0  }
0x32: {  	s11 =	rddreg [dreg:$0x4];
	[sflag:s10] =	ssyncadd.s32 $0xFFFFC000  }
0x33: {  	[tilespmem:s2], [sflag:$0x1] =	stream.strided.gather [hbm4b:s11+s5], $0x4000, s6, s5, $0x38;
	[tilespmem:$0x8000] =	vst v63  }
0x34: {  	s12 =	rddreg [dreg:$0x5]  }
0x35: {  	[hbm4b:s12+s5] =	stream.strided.scatter [tilespmem:s8], [sflag:$0x4], $0x4000, s6, s5, $0x38;
	[tilespmem:$0x8000] =	vst v63  }
0x36: {  	_ =	swait.ge [sflag:s7], $0x4000  }
0x37: {  	[sflag:s7] =	ssyncset.done $0x0  }
0x38: {  	s11 =	simm.s32 $0x4;
	[sflag:s7] =	ssyncadd.s32 $0xFFFFC000  }
0x39: {  	_ =	swait.ge [sflag:s11], $0x4000  }
0x3a: {  	[sflag:s11] =	ssyncset.done $0x0  }
0x3b: {  	s15 =	rddreg [dreg:$0x6];
	[sflag:s11] =	ssyncadd.s32 $0xFFFFC000  }
0x3c: {  	[tilespmem:s8], [sflag:$0x2] =	stream.strided.gather [hbm4b:s15+s5], $0x4000, s6, s5, $0x38;
	[tilespmem:$0x8000] =	vst v63  }
0x3d: {  	s13 =	rddreg [dreg:$0x7]  }
0x3e: {  	[hbm4b:s13+s5] =	stream.strided.scatter [tilespmem:s2], [sflag:$0x3], $0x4000, s6, s5, $0x38;
	[tilespmem:$0x8000] =	vst v63  }
0x3f: {  	_ =	swait.ge [sflag:s9], $0x4000  }
0x40: {  	[sflag:s9] =	ssyncset.done $0x0  }
0x41: {  	[sflag:s9] =	ssyncadd.s32 $0xFFFFC000  }
0x42: {  	_ =	swait.ge [sflag:s10], $0x4000  }
0x43: {  	[sflag:s10] =	ssyncset.done $0x0  }
0x44: {  	s16 =	rddreg [dreg:$0x8];
	[sflag:s10] =	ssyncadd.s32 $0xFFFFC000  }
0x45: {  	[tilespmem:s2], [sflag:$0x1] =	stream.strided.gather [hbm4b:s16+s5], $0x4000, s6, s5, $0x38;
	[tilespmem:$0x8000] =	vst v63  }
0x46: {  	s17 =	rddreg [dreg:$0x9]  }
0x47: {  	[hbm4b:s17+s5] =	stream.strided.scatter [tilespmem:s8], [sflag:$0x4], $0x4000, s6, s5, $0x38;
	[tilespmem:$0x8000] =	vst v63  }
0x48: {  	_ =	swait.ge [sflag:s7], $0x4000  }
0x49: {  	[sflag:s7] =	ssyncset.done $0x0  }
0x4a: {  	[sflag:s7] =	ssyncadd.s32 $0xFFFFC000  }
0x4b: {  	_ =	swait.ge [sflag:s11], $0x4000  }
0x4c: {  	[sflag:s11] =	ssyncset.done $0x0  }
0x4d: {  	s18 =	rddreg [dreg:$0xa];
	[sflag:s11] =	ssyncadd.s32 $0xFFFFC000  }
0x4e: {  	[tilespmem:s8], [sflag:$0x2] =	stream.strided.gather [hbm4b:s18+s5], $0x4000, s6, s5, $0x38;
	[tilespmem:$0x8000] =	vst v63  }
0x4f: {  	s19 =	rddreg [dreg:$0xb]  }
0x50: {  	[hbm4b:s19+s5] =	stream.strided.scatter [tilespmem:s2], [sflag:$0x3], $0x4000, s6, s5, $0x38;
	[tilespmem:$0x8000] =	vst v63  }
0x51: {  	_ =	swait.ge [sflag:s9], $0x4000  }
0x52: {  	[sflag:s9] =	ssyncset.done $0x0  }
0x53: {  	[sflag:s9] =	ssyncadd.s32 $0xFFFFC000  }
0x54: {  	_ =	swait.ge [sflag:s10], $0x4000  }
0x55: {  	[sflag:s10] =	ssyncset.done $0x0  }
0x56: {  	s20 =	rddreg [dreg:$0xc];
	[sflag:s10] =	ssyncadd.s32 $0xFFFFC000  }
0x57: {  	[tilespmem:s2], [sflag:$0x1] =	stream.strided.gather [hbm4b:s20+s5], $0x4000, s6, s5, $0x38;
	[tilespmem:$0x8000] =	vst v63  }
0x58: {  	s21 =	rddreg [dreg:$0xd]  }
0x59: {  	[hbm4b:s21+s5] =	stream.strided.scatter [tilespmem:s8], [sflag:$0x4], $0x4000, s6, s5, $0x38;
	[tilespmem:$0x8000] =	vst v63  }
0x5a: {  	_ =	swait.ge [sflag:s7], $0x4000  }
0x5b: {  	[sflag:s7] =	ssyncset.done $0x0  }
0x5c: {  	[sflag:s7] =	ssyncadd.s32 $0xFFFFC000  }
0x5d: {  	_ =	swait.ge [sflag:s11], $0x4000  }
0x5e: {  	[sflag:s11] =	ssyncset.done $0x0  }
0x5f: {  	s22 =	rddreg [dreg:$0xe];
	[sflag:s11] =	ssyncadd.s32 $0xFFFFC000  }
0x60: {  	[tilespmem:s8], [sflag:$0x2] =	stream.strided.gather [hbm4b:s22+s5], $0x4000, s6, s5, $0x38;
	[tilespmem:$0x8000] =	vst v63  }
0x61: {  	s23 =	rddreg [dreg:$0xf]  }
0x62: {  	[hbm4b:s23+s5] =	stream.strided.scatter [tilespmem:s2], [sflag:$0x3], $0x4000, s6, s5, $0x38;
	[tilespmem:$0x8000] =	vst v63  }
0x63: {  	_ =	swait.ge [sflag:s9], $0x4000  }
0x64: {  	[sflag:s9] =	ssyncset.done $0x0  }
0x65: {  	[sflag:s9] =	ssyncadd.s32 $0xFFFFC000  }
0x66: {  	_ =	swait.ge [sflag:s10], $0x4000  }
0x67: {  	[sflag:s10] =	ssyncset.done $0x0  }
0x68: {  	s24 =	rddreg [dreg:$0x10];
	[sflag:s10] =	ssyncadd.s32 $0xFFFFC000  }
0x69: {  	[tilespmem:s2], [sflag:$0x1] =	stream.strided.gather [hbm4b:s24+s5], $0x4000, s6, s5, $0x38;
	[tilespmem:$0x8000] =	vst v63  }
0x6a: {  	s25 =	rddreg [dreg:$0x11]  }
0x6b: {  	[hbm4b:s25+s5] =	stream.strided.scatter [tilespmem:s8], [sflag:$0x4], $0x4000, s6, s5, $0x38;
	[tilespmem:$0x8000] =	vst v63  }
0x6c: {  	_ =	swait.ge [sflag:s7], $0x4000  }
0x6d: {  	[sflag:s7] =	ssyncset.done $0x0  }
0x6e: {  	[sflag:s7] =	ssyncadd.s32 $0xFFFFC000  }
0x6f: {  	_ =	swait.ge [sflag:s11], $0x4000  }
0x70: {  	[sflag:s11] =	ssyncset.done $0x0  }
0x71: {  	s26 =	rddreg [dreg:$0x12];
	[sflag:s11] =	ssyncadd.s32 $0xFFFFC000  }
0x72: {  	[tilespmem:s8], [sflag:$0x2] =	stream.strided.gather [hbm4b:s26+s5], $0x4000, s6, s5, $0x38;
	[tilespmem:$0x8000] =	vst v63  }
0x73: {  	s4 =	rddreg [dreg:$0x13]  }
0x74: {  	[hbm4b:s4+s5] =	stream.strided.scatter [tilespmem:s2], [sflag:$0x3], $0x4000, s6, s5, $0x38;
	[tilespmem:$0x8000] =	vst v63  }
0x75: {  	_ =	swait.ge [sflag:s9], $0x4000  }
0x76: {  	[sflag:s9] =	ssyncset.done $0x0  }
0x77: {  	[sflag:s9] =	ssyncadd.s32 $0xFFFFC000  }
0x78: {  	_ =	swait.ge [sflag:s10], $0x4000  }
0x79: {  	[sflag:s10] =	ssyncset.done $0x0  }
0x7a: {  	s13 =	rddreg [dreg:$0x14];
	[sflag:s10] =	ssyncadd.s32 $0xFFFFC000  }
0x7b: {  	[tilespmem:s2], [sflag:$0x1] =	stream.strided.gather [hbm4b:s13+s5], $0x4000, s6, s5, $0x38;
	[tilespmem:$0x8000] =	vst v63  }
0x7c: {  	s14 =	rddreg [dreg:$0x15]  }
0x7d: {  	[hbm4b:s14+s5] =	stream.strided.scatter [tilespmem:s8], [sflag:$0x4], $0x4000, s6, s5, $0x38;
	[tilespmem:$0x8000] =	vst v63  }
0x7e: {  	_ =	swait.ge [sflag:s7], $0x4000  }
0x7f: {  	[sflag:s7] =	ssyncset.done $0x0  }
0x80: {  	[sflag:s7] =	ssyncadd.s32 $0xFFFFC000  }
0x81: {  	_ =	swait.ge [sflag:s11], $0x4000  }
0x82: {  	[sflag:s11] =	ssyncset.done $0x0  }
0x83: {  	s15 =	rddreg [dreg:$0x16];
	[sflag:s11] =	ssyncadd.s32 $0xFFFFC000  }
0x84: {  	[tilespmem:s8], [sflag:$0x2] =	stream.strided.gather [hbm4b:s15+s5], $0x4000, s6, s5, $0x38;
	[tilespmem:$0x8000] =	vst v63  }
0x85: {  	s16 =	rddreg [dreg:$0x17]  }
0x86: {  	[hbm4b:s16+s5] =	stream.strided.scatter [tilespmem:s2], [sflag:$0x3], $0x4000, s6, s5, $0x38;
	[tilespmem:$0x8000] =	vst v63  }
0x87: {  	_ =	swait.ge [sflag:s9], $0x4000  }
0x88: {  	[sflag:s9] =	ssyncset.done $0x0  }
0x89: {  	[sflag:s9] =	ssyncadd.s32 $0xFFFFC000  }
0x8a: {  	_ =	swait.ge [sflag:s10], $0x4000  }
0x8b: {  	[sflag:s10] =	ssyncset.done $0x0  }
0x8c: {  	s17 =	rddreg [dreg:$0x18];
	[sflag:s10] =	ssyncadd.s32 $0xFFFFC000  }
0x8d: {  	[tilespmem:s2], [sflag:$0x1] =	stream.strided.gather [hbm4b:s17+s5], $0x4000, s6, s5, $0x38;
	[tilespmem:$0x8000] =	vst v63  }
0x8e: {  	s18 =	rddreg [dreg:$0x19]  }
0x8f: {  	[hbm4b:s18+s5] =	stream.strided.scatter [tilespmem:s8], [sflag:$0x4], $0x4000, s6, s5, $0x38;
	[tilespmem:$0x8000] =	vst v63  }
0x90: {  	_ =	swait.ge [sflag:s7], $0x4000  }
0x91: {  	[sflag:s7] =	ssyncset.done $0x0  }
0x92: {  	[sflag:s7] =	ssyncadd.s32 $0xFFFFC000  }
0x93: {  	_ =	swait.ge [sflag:s11], $0x4000  }
0x94: {  	[sflag:s11] =	ssyncset.done $0x0  }
0x95: {  	s19 =	rddreg [dreg:$0x1a];
	[sflag:s11] =	ssyncadd.s32 $0xFFFFC000  }
0x96: {  	[tilespmem:s8], [sflag:$0x2] =	stream.strided.gather [hbm4b:s19+s5], $0x4000, s6, s5, $0x38;
	[tilespmem:$0x8000] =	vst v63  }
0x97: {  	s20 =	rddreg [dreg:$0x1b]  }
0x98: {  	[hbm4b:s20+s5] =	stream.strided.scatter [tilespmem:s2], [sflag:$0x3], $0x4000, s6, s5, $0x38;
	[tilespmem:$0x8000] =	vst v63  }
0x99: {  	_ =	swait.ge [sflag:s9], $0x4000  }
0x9a: {  	[sflag:s9] =	ssyncset.done $0x0  }
0x9b: {  	[sflag:s9] =	ssyncadd.s32 $0xFFFFC000  }
0x9c: {  	_ =	swait.ge [sflag:s10], $0x4000  }
0x9d: {  	[sflag:s10] =	ssyncset.done $0x0  }
0x9e: {  	s21 =	rddreg [dreg:$0x1c];
	[sflag:s10] =	ssyncadd.s32 $0xFFFFC000  }
0x9f: {  	[tilespmem:s2], [sflag:$0x1] =	stream.strided.gather [hbm4b:s21+s5], $0x4000, s6, s5, $0x38;
	[tilespmem:$0x8000] =	vst v63  }
0xa0: {  	s22 =	rddreg [dreg:$0x1d]  }
0xa1: {  	[hbm4b:s22+s5] =	stream.strided.scatter [tilespmem:s8], [sflag:$0x4], $0x4000, s6, s5, $0x38;
	[tilespmem:$0x8000] =	vst v63  }
0xa2: {  	_ =	swait.ge [sflag:s7], $0x4000  }
0xa3: {  	[sflag:s7] =	ssyncset.done $0x0  }
0xa4: {  	[sflag:s7] =	ssyncadd.s32 $0xFFFFC000  }
0xa5: {  	_ =	swait.ge [sflag:s11], $0x4000  }
0xa6: {  	[sflag:s11] =	ssyncset.done $0x0  }
0xa7: {  	s23 =	rddreg [dreg:$0x1e];
	[sflag:s11] =	ssyncadd.s32 $0xFFFFC000  }
0xa8: {  	[tilespmem:s8], [sflag:$0x2] =	stream.strided.gather [hbm4b:s23+s5], $0x4000, s6, s5, $0x38;
	[tilespmem:$0x8000] =	vst v63  }
0xa9: {  	s24 =	rddreg [dreg:$0x1f]  }
0xaa: {  	[hbm4b:s24+s5] =	stream.strided.scatter [tilespmem:s2], [sflag:$0x3], $0x4000, s6, s5, $0x38;
	[tilespmem:$0x8000] =	vst v63  }
0xab: {  	_ =	swait.ge [sflag:s9], $0x4000  }
0xac: {  	[sflag:s9] =	ssyncset.done $0x0  }
0xad: {  	[sflag:s9] =	ssyncadd.s32 $0xFFFFC000  }
0xae: {  	_ =	swait.ge [sflag:s10], $0x4000  }
0xaf: {  	[sflag:s10] =	ssyncset.done $0x0  }
0xb0: {  	s25 =	sadd.s32 $0x200000, s0;
	[sflag:s10] =	ssyncadd.s32 $0xFFFFC000  }
0xb1: {  	[tilespmem:s2], [sflag:$0x1] =	stream.strided.gather [hbm4b:s25+s5], $0x4000, s6, s5, $0x38;
	[tilespmem:$0x8000] =	vst v63  }
0xb2: {  	s26 =	sadd.s32 $0xF0000, s3;
	[smem:$0x7FD] =	sst s25  }
0xb3: {  	[hbm4b:s26+s5] =	stream.strided.scatter [tilespmem:s8], [sflag:$0x4], $0x4000, s6, s5, $0x38;
	[tilespmem:$0x8000] =	vst v63  }
0xb4: {  	_ =	swait.ge [sflag:s7], $0x4000  }
0xb5: {  	[sflag:s7] =	ssyncset.done $0x0  }
0xb6: {  	[sflag:s7] =	ssyncadd.s32 $0xFFFFC000  }
0xb7: {  	_ =	swait.ge [sflag:s11], $0x4000  }
0xb8: {  	[sflag:s11] =	ssyncset.done $0x0  }
0xb9: {  	s14 =	sadd.s32 $0x220000, s0;
	[sflag:s11] =	ssyncadd.s32 $0xFFFFC000  }
0xba: {  	[tilespmem:s8], [sflag:$0x2] =	stream.strided.gather [hbm4b:s14+s5], $0x4000, s6, s5, $0x38;
	[tilespmem:$0x8000] =	vst v63  }
0xbb: {  	s15 =	sadd.s32 $0x100000, s3  }
0xbc: {  	[hbm4b:s15+s5] =	stream.strided.scatter [tilespmem:s2], [sflag:$0x3], $0x4000, s6, s5, $0x38;
	[tilespmem:$0x8000] =	vst v63  }
0xbd: {  	_ =	swait.ge [sflag:s9], $0x4000  }
0xbe: {  	[sflag:s9] =	ssyncset.done $0x0  }
0xbf: {  	[sflag:s9] =	ssyncadd.s32 $0xFFFFC000  }
0xc0: {  	_ =	swait.ge [sflag:s10], $0x4000  }
0xc1: {  	[sflag:s10] =	ssyncset.done $0x0  }
0xc2: {  	s16 =	sadd.s32 $0x240000, s0;
	[sflag:s10] =	ssyncadd.s32 $0xFFFFC000  }
0xc3: {  	[tilespmem:s2], [sflag:$0x1] =	stream.strided.gather [hbm4b:s16+s5], $0x4000, s6, s5, $0x38;
	[tilespmem:$0x8000] =	vst v63  }
0xc4: {  	s17 =	sadd.s32 $0x110000, s3  }
0xc5: {  	[hbm4b:s17+s5] =	stream.strided.scatter [tilespmem:s8], [sflag:$0x4], $0x4000, s6, s5, $0x38;
	[tilespmem:$0x8000] =	vst v63  }
0xc6: {  	_ =	swait.ge [sflag:s7], $0x4000  }
0xc7: {  	[sflag:s7] =	ssyncset.done $0x0  }
0xc8: {  	[sflag:s7] =	ssyncadd.s32 $0xFFFFC000  }
0xc9: {  	_ =	swait.ge [sflag:s11], $0x4000  }
0xca: {  	[sflag:s11] =	ssyncset.done $0x0  }
0xcb: {  	s18 =	sadd.s32 $0x260000, s0;
	[sflag:s11] =	ssyncadd.s32 $0xFFFFC000  }
0xcc: {  	[tilespmem:s8], [sflag:$0x2] =	stream.strided.gather [hbm4b:s18+s5], $0x4000, s6, s5, $0x38;
	[tilespmem:$0x8000] =	vst v63  }
0xcd: {  	s19 =	sadd.s32 $0x120000, s3  }
0xce: {  	[hbm4b:s19+s5] =	stream.strided.scatter [tilespmem:s2], [sflag:$0x3], $0x4000, s6, s5, $0x38;
	[tilespmem:$0x8000] =	vst v63  }
0xcf: {  	_ =	swait.ge [sflag:s9], $0x4000  }
0xd0: {  	[sflag:s9] =	ssyncset.done $0x0  }
0xd1: {  	[sflag:s9] =	ssyncadd.s32 $0xFFFFC000  }
0xd2: {  	_ =	swait.ge [sflag:s10], $0x4000  }
0xd3: {  	[sflag:s10] =	ssyncset.done $0x0  }
0xd4: {  	s20 =	sadd.s32 $0x280000, s0;
	[sflag:s10] =	ssyncadd.s32 $0xFFFFC000  }
0xd5: {  	[tilespmem:s2], [sflag:$0x1] =	stream.strided.gather [hbm4b:s20+s5], $0x4000, s6, s5, $0x38;
	[tilespmem:$0x8000] =	vst v63  }
0xd6: {  	s21 =	sadd.s32 $0x130000, s3  }
0xd7: {  	[hbm4b:s21+s5] =	stream.strided.scatter [tilespmem:s8], [sflag:$0x4], $0x4000, s6, s5, $0x38;
	[tilespmem:$0x8000] =	vst v63  }
0xd8: {  	_ =	swait.ge [sflag:s7], $0x4000  }
0xd9: {  	[sflag:s7] =	ssyncset.done $0x0  }
0xda: {  	[sflag:s7] =	ssyncadd.s32 $0xFFFFC000  }
0xdb: {  	_ =	swait.ge [sflag:s11], $0x4000  }
0xdc: {  	[sflag:s11] =	ssyncset.done $0x0  }
0xdd: {  	s22 =	sadd.s32 $0x2A0000, s0;
	[sflag:s11] =	ssyncadd.s32 $0xFFFFC000  }
0xde: {  	[tilespmem:s8], [sflag:$0x2] =	stream.strided.gather [hbm4b:s22+s5], $0x4000, s6, s5, $0x38;
	[tilespmem:$0x8000] =	vst v63  }
0xdf: {  	s23 =	sadd.s32 $0x140000, s3  }
0xe0: {  	[hbm4b:s23+s5] =	stream.strided.scatter [tilespmem:s2], [sflag:$0x3], $0x4000, s6, s5, $0x38;
	[tilespmem:$0x8000] =	vst v63  }
0xe1: {  	_ =	swait.ge [sflag:s9], $0x4000  }
0xe2: {  	[sflag:s9] =	ssyncset.done $0x0  }
0xe3: {  	[sflag:s9] =	ssyncadd.s32 $0xFFFFC000  }
0xe4: {  	_ =	swait.ge [sflag:s10], $0x4000  }
0xe5: {  	[sflag:s10] =	ssyncset.done $0x0  }
0xe6: {  	s24 =	sadd.s32 $0x2C0000, s0;
	[sflag:s10] =	ssyncadd.s32 $0xFFFFC000  }
0xe7: {  	[tilespmem:s2], [sflag:$0x1] =	stream.strided.gather [hbm4b:s24+s5], $0x4000, s6, s5, $0x38;
	[tilespmem:$0x8000] =	vst v63  }
0xe8: {  	s25 =	sadd.s32 $0x150000, s3  }
0xe9: {  	[hbm4b:s25+s5] =	stream.strided.scatter [tilespmem:s8], [sflag:$0x4], $0x4000, s6, s5, $0x38;
	[tilespmem:$0x8000] =	vst v63  }
0xea: {  	_ =	swait.ge [sflag:s7], $0x4000  }
0xeb: {  	[sflag:s7] =	ssyncset.done $0x0  }
0xec: {  	[sflag:s7] =	ssyncadd.s32 $0xFFFFC000  }
0xed: {  	_ =	swait.ge [sflag:s11], $0x4000  }
0xee: {  	[sflag:s11] =	ssyncset.done $0x0  }
0xef: {  	s13 =	smov.u32 s26;
	s26 =	sadd.s32 $0x2E0000, s0;
	[sflag:s11] =	ssyncadd.s32 $0xFFFFC000  }
0xf0: {  	[tilespmem:s8], [sflag:$0x2] =	stream.strided.gather [hbm4b:s26+s5], $0x4000, s6, s5, $0x38;
	[tilespmem:$0x8000] =	vst v63  }
0xf1: {  	s28 =	sadd.s32 $0x160000, s3  }
0xf2: {  	[hbm4b:s28+s5] =	stream.strided.scatter [tilespmem:s2], [sflag:$0x3], $0x4000, s6, s5, $0x38;
	[tilespmem:$0x8000] =	vst v63  }
0xf3: {  	_ =	swait.ge [sflag:s9], $0x4000  }
0xf4: {  	[sflag:s9] =	ssyncset.done $0x0  }
0xf5: {  	[sflag:s9] =	ssyncadd.s32 $0xFFFFC000  }
0xf6: {  	_ =	swait.ge [sflag:s10], $0x4000  }
0xf7: {  	[sflag:s10] =	ssyncset.done $0x0  }
0xf8: {  	s1 =	ssub.s32 $0x2, s1;
	s29 =	sadd.s32 $0x300000, s0;
	[sflag:s10] =	ssyncadd.s32 $0xFFFFC000  }
0xf9: {  	[tilespmem:s2], [sflag:$0x1] =	stream.strided.gather [hbm4b:s29+s5], $0x4000, s6, s5, $0x38;
	[tilespmem:$0x8000] =	vst v63  }
0xfa: {  	s30 =	sadd.s32 $0x170000, s3;
	s12 =	sshrl.u32 s1, $0x1  }
0xfb: {  	[hbm4b:s30+s5] =	stream.strided.scatter [tilespmem:s8], [sflag:$0x4], $0x4000, s6, s5, $0x38;
	[tilespmem:$0x8000] =	vst v63  }
0xfc: {  	s4 =	smov.u32 s0;
	s0 =	ssub.s32 s1, s12;
	_ =	swait.ge [sflag:s7], $0x4000  }
0xfd: {  	s0 =	smax.u32 s0, $0x1;
	[sflag:s7] =	ssyncset.done $0x0  }
0xfe: {  	s31 =	sadd.s32 $0x180000, s3;
	p0 =	sne.s32 s0, $0x1;
	[sflag:s7] =	ssyncadd.s32 $0xFFFFC000  }
0xff: {  	[hbm4b:s31+s5] =	stream.strided.scatter [tilespmem:s2], [sflag:$0x3], $0x4000, s6, s5, $0x38;
	[tilespmem:$0x8000] =	vst v63  }
.Ltmp0:
0x100: {  	_ =	swait.ge [sflag:s11], $0x4000;
	(pc) =	sbr.rel @!p0 .LBB2_3-.Ltmp0, $4  }
0x101: {  	[sflag:s11] =	ssyncset.done $0x0  }
0x102: {  	[sflag:s11] =	ssyncadd.s32 $0xFFFFC000  }
0x103: {  	_ =	swait.ge [sflag:s10], $0x4000  }
0x104: {  	s1 =	sadd.s32 $0xFFFFFFFF, s0;
	[sflag:s10] =	ssyncset.done $0x0  }
0x105: {  	s12 =	smov.u32 s3  }
.LBB2_2:
0x106: {  	[sflag:s10] =	ssyncadd.s32 $0xFFFFC000  }
0x107: {  	[tilespmem:s2], [sflag:$0x1] =	stream.strided.gather [hbm4b:s4+s5], $0x4000, s6, s5, $0x38;
	[tilespmem:$0x8000] =	vst v63  }
0x108: {  	_ =	swait.ge [sflag:s7], $0x4000  }
0x109: {  	[sflag:s7] =	ssyncset.done $0x0  }
0x10a: {  	s0 =	rddreg [dreg:$0x3];
	[sflag:s7] =	ssyncadd.s32 $0xFFFFC000  }
0x10b: {  	[tilespmem:s8], [sflag:$0x2] =	stream.strided.gather [hbm4b:s0+s5], $0x4000, s6, s5, $0x38;
	[tilespmem:$0x8000] =	vst v63  }
0x10c: {  	_ = 	snop  }
0x10d: {  	[hbm4b:s12+s5] =	stream.strided.scatter [tilespmem:s2], [sflag:$0x3], $0x4000, s6, s5, $0x38;
	[tilespmem:$0x8000] =	vst v63  }
0x10e: {  	_ =	swait.ge [sflag:s9], $0x4000  }
0x10f: {  	[sflag:s9] =	ssyncset.done $0x0  }
0x110: {  	[sflag:s9] =	ssyncadd.s32 $0xFFFFC000  }
0x111: {  	_ =	swait.ge [sflag:s10], $0x4000  }
0x112: {  	[sflag:s10] =	ssyncset.done $0x0  }
0x113: {  	s0 =	rddreg [dreg:$0x4];
	[sflag:s10] =	ssyncadd.s32 $0xFFFFC000  }
0x114: {  	[tilespmem:s2], [sflag:$0x1] =	stream.strided.gather [hbm4b:s0+s5], $0x4000, s6, s5, $0x38;
	[tilespmem:$0x8000] =	vst v63  }
0x115: {  	s3 =	rddreg [dreg:$0x5]  }
0x116: {  	[hbm4b:s3+s5] =	stream.strided.scatter [tilespmem:s8], [sflag:$0x4], $0x4000, s6, s5, $0x38;
	[tilespmem:$0x8000] =	vst v63  }
0x117: {  	_ =	swait.ge [sflag:s7], $0x4000  }
0x118: {  	[sflag:s7] =	ssyncset.done $0x0  }
0x119: {  	[sflag:s7] =	ssyncadd.s32 $0xFFFFC000  }
0x11a: {  	_ =	swait.ge [sflag:s11], $0x4000  }
0x11b: {  	[sflag:s11] =	ssyncset.done $0x0  }
0x11c: {  	s0 =	rddreg [dreg:$0x6];
	[sflag:s11] =	ssyncadd.s32 $0xFFFFC000  }
0x11d: {  	[tilespmem:s8], [sflag:$0x2] =	stream.strided.gather [hbm4b:s0+s5], $0x4000, s6, s5, $0x38;
	[tilespmem:$0x8000] =	vst v63  }
0x11e: {  	s3 =	rddreg [dreg:$0x7]  }
0x11f: {  	[hbm4b:s3+s5] =	stream.strided.scatter [tilespmem:s2], [sflag:$0x3], $0x4000, s6, s5, $0x38;
	[tilespmem:$0x8000] =	vst v63  }
0x120: {  	_ =	swait.ge [sflag:s9], $0x4000  }
0x121: {  	[sflag:s9] =	ssyncset.done $0x0  }
0x122: {  	[sflag:s9] =	ssyncadd.s32 $0xFFFFC000  }
0x123: {  	_ =	swait.ge [sflag:s10], $0x4000  }
0x124: {  	[sflag:s10] =	ssyncset.done $0x0  }
0x125: {  	s0 =	rddreg [dreg:$0x8];
	[sflag:s10] =	ssyncadd.s32 $0xFFFFC000  }
0x126: {  	[tilespmem:s2], [sflag:$0x1] =	stream.strided.gather [hbm4b:s0+s5], $0x4000, s6, s5, $0x38;
	[tilespmem:$0x8000] =	vst v63  }
0x127: {  	s3 =	rddreg [dreg:$0x9]  }
0x128: {  	[hbm4b:s3+s5] =	stream.strided.scatter [tilespmem:s8], [sflag:$0x4], $0x4000, s6, s5, $0x38;
	[tilespmem:$0x8000] =	vst v63  }
0x129: {  	_ =	swait.ge [sflag:s7], $0x4000  }
0x12a: {  	[sflag:s7] =	ssyncset.done $0x0  }
0x12b: {  	[sflag:s7] =	ssyncadd.s32 $0xFFFFC000  }
0x12c: {  	_ =	swait.ge [sflag:s11], $0x4000  }
0x12d: {  	[sflag:s11] =	ssyncset.done $0x0  }
0x12e: {  	s0 =	rddreg [dreg:$0xa];
	[sflag:s11] =	ssyncadd.s32 $0xFFFFC000  }
0x12f: {  	[tilespmem:s8], [sflag:$0x2] =	stream.strided.gather [hbm4b:s0+s5], $0x4000, s6, s5, $0x38;
	[tilespmem:$0x8000] =	vst v63  }
0x130: {  	s3 =	rddreg [dreg:$0xb]  }
0x131: {  	[hbm4b:s3+s5] =	stream.strided.scatter [tilespmem:s2], [sflag:$0x3], $0x4000, s6, s5, $0x38;
	[tilespmem:$0x8000] =	vst v63  }
0x132: {  	_ =	swait.ge [sflag:s9], $0x4000  }
0x133: {  	[sflag:s9] =	ssyncset.done $0x0  }
0x134: {  	[sflag:s9] =	ssyncadd.s32 $0xFFFFC000  }
0x135: {  	_ =	swait.ge [sflag:s10], $0x4000  }
0x136: {  	[sflag:s10] =	ssyncset.done $0x0  }
0x137: {  	s0 =	rddreg [dreg:$0xc];
	[sflag:s10] =	ssyncadd.s32 $0xFFFFC000  }
0x138: {  	[tilespmem:s2], [sflag:$0x1] =	stream.strided.gather [hbm4b:s0+s5], $0x4000, s6, s5, $0x38;
	[tilespmem:$0x8000] =	vst v63  }
0x139: {  	s3 =	rddreg [dreg:$0xd]  }
0x13a: {  	[hbm4b:s3+s5] =	stream.strided.scatter [tilespmem:s8], [sflag:$0x4], $0x4000, s6, s5, $0x38;
	[tilespmem:$0x8000] =	vst v63  }
0x13b: {  	_ =	swait.ge [sflag:s7], $0x4000  }
0x13c: {  	[sflag:s7] =	ssyncset.done $0x0  }
0x13d: {  	[sflag:s7] =	ssyncadd.s32 $0xFFFFC000  }
0x13e: {  	_ =	swait.ge [sflag:s11], $0x4000  }
0x13f: {  	[sflag:s11] =	ssyncset.done $0x0  }
0x140: {  	s0 =	rddreg [dreg:$0xe];
	[sflag:s11] =	ssyncadd.s32 $0xFFFFC000  }
0x141: {  	[tilespmem:s8], [sflag:$0x2] =	stream.strided.gather [hbm4b:s0+s5], $0x4000, s6, s5, $0x38;
	[tilespmem:$0x8000] =	vst v63  }
0x142: {  	s3 =	rddreg [dreg:$0xf]  }
0x143: {  	[hbm4b:s3+s5] =	stream.strided.scatter [tilespmem:s2], [sflag:$0x3], $0x4000, s6, s5, $0x38;
	[tilespmem:$0x8000] =	vst v63  }
0x144: {  	_ =	swait.ge [sflag:s9], $0x4000  }
0x145: {  	[sflag:s9] =	ssyncset.done $0x0  }
0x146: {  	[sflag:s9] =	ssyncadd.s32 $0xFFFFC000  }
0x147: {  	_ =	swait.ge [sflag:s10], $0x4000  }
0x148: {  	[sflag:s10] =	ssyncset.done $0x0  }
0x149: {  	s0 =	rddreg [dreg:$0x10];
	[sflag:s10] =	ssyncadd.s32 $0xFFFFC000  }
0x14a: {  	[tilespmem:s2], [sflag:$0x1] =	stream.strided.gather [hbm4b:s0+s5], $0x4000, s6, s5, $0x38;
	[tilespmem:$0x8000] =	vst v63  }
0x14b: {  	s3 =	rddreg [dreg:$0x11]  }
0x14c: {  	[hbm4b:s3+s5] =	stream.strided.scatter [tilespmem:s8], [sflag:$0x4], $0x4000, s6, s5, $0x38;
	[tilespmem:$0x8000] =	vst v63  }
0x14d: {  	_ =	swait.ge [sflag:s7], $0x4000  }
0x14e: {  	[sflag:s7] =	ssyncset.done $0x0  }
0x14f: {  	[sflag:s7] =	ssyncadd.s32 $0xFFFFC000  }
0x150: {  	_ =	swait.ge [sflag:s11], $0x4000  }
0x151: {  	[sflag:s11] =	ssyncset.done $0x0  }
0x152: {  	s0 =	rddreg [dreg:$0x12];
	[sflag:s11] =	ssyncadd.s32 $0xFFFFC000  }
0x153: {  	[tilespmem:s8], [sflag:$0x2] =	stream.strided.gather [hbm4b:s0+s5], $0x4000, s6, s5, $0x38;
	[tilespmem:$0x8000] =	vst v63  }
0x154: {  	s3 =	rddreg [dreg:$0x13]  }
0x155: {  	[hbm4b:s3+s5] =	stream.strided.scatter [tilespmem:s2], [sflag:$0x3], $0x4000, s6, s5, $0x38;
	[tilespmem:$0x8000] =	vst v63  }
0x156: {  	_ =	swait.ge [sflag:s9], $0x4000  }
0x157: {  	[sflag:s9] =	ssyncset.done $0x0  }
0x158: {  	[sflag:s9] =	ssyncadd.s32 $0xFFFFC000  }
0x159: {  	_ =	swait.ge [sflag:s10], $0x4000  }
0x15a: {  	[sflag:s10] =	ssyncset.done $0x0  }
0x15b: {  	s0 =	rddreg [dreg:$0x14];
	[sflag:s10] =	ssyncadd.s32 $0xFFFFC000  }
0x15c: {  	[tilespmem:s2], [sflag:$0x1] =	stream.strided.gather [hbm4b:s0+s5], $0x4000, s6, s5, $0x38;
	[tilespmem:$0x8000] =	vst v63  }
0x15d: {  	s3 =	rddreg [dreg:$0x15]  }
0x15e: {  	[hbm4b:s3+s5] =	stream.strided.scatter [tilespmem:s8], [sflag:$0x4], $0x4000, s6, s5, $0x38;
	[tilespmem:$0x8000] =	vst v63  }
0x15f: {  	_ =	swait.ge [sflag:s7], $0x4000  }
0x160: {  	[sflag:s7] =	ssyncset.done $0x0  }
0x161: {  	[sflag:s7] =	ssyncadd.s32 $0xFFFFC000  }
0x162: {  	_ =	swait.ge [sflag:s11], $0x4000  }
0x163: {  	[sflag:s11] =	ssyncset.done $0x0  }
0x164: {  	s0 =	rddreg [dreg:$0x16];
	[sflag:s11] =	ssyncadd.s32 $0xFFFFC000  }
0x165: {  	[tilespmem:s8], [sflag:$0x2] =	stream.strided.gather [hbm4b:s0+s5], $0x4000, s6, s5, $0x38;
	[tilespmem:$0x8000] =	vst v63  }
0x166: {  	s3 =	rddreg [dreg:$0x17]  }
0x167: {  	[hbm4b:s3+s5] =	stream.strided.scatter [tilespmem:s2], [sflag:$0x3], $0x4000, s6, s5, $0x38;
	[tilespmem:$0x8000] =	vst v63  }
0x168: {  	_ =	swait.ge [sflag:s9], $0x4000  }
0x169: {  	[sflag:s9] =	ssyncset.done $0x0  }
0x16a: {  	[sflag:s9] =	ssyncadd.s32 $0xFFFFC000  }
0x16b: {  	_ =	swait.ge [sflag:s10], $0x4000  }
0x16c: {  	[sflag:s10] =	ssyncset.done $0x0  }
0x16d: {  	s0 =	rddreg [dreg:$0x18];
	[sflag:s10] =	ssyncadd.s32 $0xFFFFC000  }
0x16e: {  	[tilespmem:s2], [sflag:$0x1] =	stream.strided.gather [hbm4b:s0+s5], $0x4000, s6, s5, $0x38;
	[tilespmem:$0x8000] =	vst v63  }
0x16f: {  	s3 =	rddreg [dreg:$0x19]  }
0x170: {  	[hbm4b:s3+s5] =	stream.strided.scatter [tilespmem:s8], [sflag:$0x4], $0x4000, s6, s5, $0x38;
	[tilespmem:$0x8000] =	vst v63  }
0x171: {  	_ =	swait.ge [sflag:s7], $0x4000  }
0x172: {  	[sflag:s7] =	ssyncset.done $0x0  }
0x173: {  	[sflag:s7] =	ssyncadd.s32 $0xFFFFC000  }
0x174: {  	_ =	swait.ge [sflag:s11], $0x4000  }
0x175: {  	[sflag:s11] =	ssyncset.done $0x0  }
0x176: {  	s0 =	rddreg [dreg:$0x1a];
	[sflag:s11] =	ssyncadd.s32 $0xFFFFC000  }
0x177: {  	[tilespmem:s8], [sflag:$0x2] =	stream.strided.gather [hbm4b:s0+s5], $0x4000, s6, s5, $0x38;
	[tilespmem:$0x8000] =	vst v63  }
0x178: {  	s3 =	rddreg [dreg:$0x1b]  }
0x179: {  	[hbm4b:s3+s5] =	stream.strided.scatter [tilespmem:s2], [sflag:$0x3], $0x4000, s6, s5, $0x38;
	[tilespmem:$0x8000] =	vst v63  }
0x17a: {  	_ =	swait.ge [sflag:s9], $0x4000  }
0x17b: {  	[sflag:s9] =	ssyncset.done $0x0  }
0x17c: {  	[sflag:s9] =	ssyncadd.s32 $0xFFFFC000  }
0x17d: {  	_ =	swait.ge [sflag:s10], $0x4000  }
0x17e: {  	[sflag:s10] =	ssyncset.done $0x0  }
0x17f: {  	s0 =	rddreg [dreg:$0x1c];
	[sflag:s10] =	ssyncadd.s32 $0xFFFFC000  }
0x180: {  	[tilespmem:s2], [sflag:$0x1] =	stream.strided.gather [hbm4b:s0+s5], $0x4000, s6, s5, $0x38;
	[tilespmem:$0x8000] =	vst v63  }
0x181: {  	s3 =	rddreg [dreg:$0x1d]  }
0x182: {  	[hbm4b:s3+s5] =	stream.strided.scatter [tilespmem:s8], [sflag:$0x4], $0x4000, s6, s5, $0x38;
	[tilespmem:$0x8000] =	vst v63  }
0x183: {  	_ =	swait.ge [sflag:s7], $0x4000  }
0x184: {  	[sflag:s7] =	ssyncset.done $0x0  }
0x185: {  	[sflag:s7] =	ssyncadd.s32 $0xFFFFC000  }
0x186: {  	_ =	swait.ge [sflag:s11], $0x4000  }
0x187: {  	[sflag:s11] =	ssyncset.done $0x0  }
0x188: {  	s0 =	rddreg [dreg:$0x1e];
	[sflag:s11] =	ssyncadd.s32 $0xFFFFC000  }
0x189: {  	[tilespmem:s8], [sflag:$0x2] =	stream.strided.gather [hbm4b:s0+s5], $0x4000, s6, s5, $0x38;
	[tilespmem:$0x8000] =	vst v63  }
0x18a: {  	s3 =	rddreg [dreg:$0x1f]  }
0x18b: {  	[hbm4b:s3+s5] =	stream.strided.scatter [tilespmem:s2], [sflag:$0x3], $0x4000, s6, s5, $0x38;
	[tilespmem:$0x8000] =	vst v63  }
0x18c: {  	_ =	swait.ge [sflag:s9], $0x4000  }
0x18d: {  	[sflag:s9] =	ssyncset.done $0x0  }
0x18e: {  	[sflag:s9] =	ssyncadd.s32 $0xFFFFC000  }
0x18f: {  	_ =	swait.ge [sflag:s10], $0x4000  }
0x190: {  	s3 =	sld [smem:$0x7FD]  }
0x191: {  	[sflag:s10] =	ssyncset.done $0x0  }
0x192: {  	[sflag:s10] =	ssyncadd.s32 $0xFFFFC000  }
0x193: {  	[tilespmem:s2], [sflag:$0x1] =	stream.strided.gather [hbm4b:s3+s5], $0x4000, s6, s5, $0x38;
	[tilespmem:$0x8000] =	vst v63  }
0x194: {  	_ = 	snop  }
0x195: {  	[hbm4b:s13+s5] =	stream.strided.scatter [tilespmem:s8], [sflag:$0x4], $0x4000, s6, s5, $0x38;
	[tilespmem:$0x8000] =	vst v63  }
0x196: {  	_ =	swait.ge [sflag:s7], $0x4000  }
0x197: {  	[sflag:s7] =	ssyncset.done $0x0  }
0x198: {  	[sflag:s7] =	ssyncadd.s32 $0xFFFFC000  }
0x199: {  	_ =	swait.ge [sflag:s11], $0x4000  }
0x19a: {  	[sflag:s11] =	ssyncset.done $0x0  }
0x19b: {  	[sflag:s11] =	ssyncadd.s32 $0xFFFFC000  }
0x19c: {  	[tilespmem:s8], [sflag:$0x2] =	stream.strided.gather [hbm4b:s14+s5], $0x4000, s6, s5, $0x38;
	[tilespmem:$0x8000] =	vst v63  }
0x19d: {  	_ = 	snop  }
0x19e: {  	[hbm4b:s15+s5] =	stream.strided.scatter [tilespmem:s2], [sflag:$0x3], $0x4000, s6, s5, $0x38;
	[tilespmem:$0x8000] =	vst v63  }
0x19f: {  	_ =	swait.ge [sflag:s9], $0x4000  }
0x1a0: {  	[sflag:s9] =	ssyncset.done $0x0  }
0x1a1: {  	[sflag:s9] =	ssyncadd.s32 $0xFFFFC000  }
0x1a2: {  	_ =	swait.ge [sflag:s10], $0x4000  }
0x1a3: {  	[sflag:s10] =	ssyncset.done $0x0  }
0x1a4: {  	[sflag:s10] =	ssyncadd.s32 $0xFFFFC000  }
0x1a5: {  	[tilespmem:s2], [sflag:$0x1] =	stream.strided.gather [hbm4b:s16+s5], $0x4000, s6, s5, $0x38;
	[tilespmem:$0x8000] =	vst v63  }
0x1a6: {  	_ = 	snop  }
0x1a7: {  	[hbm4b:s17+s5] =	stream.strided.scatter [tilespmem:s8], [sflag:$0x4], $0x4000, s6, s5, $0x38;
	[tilespmem:$0x8000] =	vst v63  }
0x1a8: {  	_ =	swait.ge [sflag:s7], $0x4000  }
0x1a9: {  	[sflag:s7] =	ssyncset.done $0x0  }
0x1aa: {  	[sflag:s7] =	ssyncadd.s32 $0xFFFFC000  }
0x1ab: {  	_ =	swait.ge [sflag:s11], $0x4000  }
0x1ac: {  	[sflag:s11] =	ssyncset.done $0x0  }
0x1ad: {  	[sflag:s11] =	ssyncadd.s32 $0xFFFFC000  }
0x1ae: {  	[tilespmem:s8], [sflag:$0x2] =	stream.strided.gather [hbm4b:s18+s5], $0x4000, s6, s5, $0x38;
	[tilespmem:$0x8000] =	vst v63  }
0x1af: {  	_ = 	snop  }
0x1b0: {  	[hbm4b:s19+s5] =	stream.strided.scatter [tilespmem:s2], [sflag:$0x3], $0x4000, s6, s5, $0x38;
	[tilespmem:$0x8000] =	vst v63  }
0x1b1: {  	_ =	swait.ge [sflag:s9], $0x4000  }
0x1b2: {  	[sflag:s9] =	ssyncset.done $0x0  }
0x1b3: {  	[sflag:s9] =	ssyncadd.s32 $0xFFFFC000  }
0x1b4: {  	_ =	swait.ge [sflag:s10], $0x4000  }
0x1b5: {  	[sflag:s10] =	ssyncset.done $0x0  }
0x1b6: {  	[sflag:s10] =	ssyncadd.s32 $0xFFFFC000  }
0x1b7: {  	[tilespmem:s2], [sflag:$0x1] =	stream.strided.gather [hbm4b:s20+s5], $0x4000, s6, s5, $0x38;
	[tilespmem:$0x8000] =	vst v63  }
0x1b8: {  	_ = 	snop  }
0x1b9: {  	[hbm4b:s21+s5] =	stream.strided.scatter [tilespmem:s8], [sflag:$0x4], $0x4000, s6, s5, $0x38;
	[tilespmem:$0x8000] =	vst v63  }
0x1ba: {  	_ =	swait.ge [sflag:s7], $0x4000  }
0x1bb: {  	[sflag:s7] =	ssyncset.done $0x0  }
0x1bc: {  	[sflag:s7] =	ssyncadd.s32 $0xFFFFC000  }
0x1bd: {  	_ =	swait.ge [sflag:s11], $0x4000  }
0x1be: {  	[sflag:s11] =	ssyncset.done $0x0  }
0x1bf: {  	[sflag:s11] =	ssyncadd.s32 $0xFFFFC000  }
0x1c0: {  	[tilespmem:s8], [sflag:$0x2] =	stream.strided.gather [hbm4b:s22+s5], $0x4000, s6, s5, $0x38;
	[tilespmem:$0x8000] =	vst v63  }
0x1c1: {  	_ = 	snop  }
0x1c2: {  	[hbm4b:s23+s5] =	stream.strided.scatter [tilespmem:s2], [sflag:$0x3], $0x4000, s6, s5, $0x38;
	[tilespmem:$0x8000] =	vst v63  }
0x1c3: {  	_ =	swait.ge [sflag:s9], $0x4000  }
0x1c4: {  	[sflag:s9] =	ssyncset.done $0x0  }
0x1c5: {  	[sflag:s9] =	ssyncadd.s32 $0xFFFFC000  }
0x1c6: {  	_ =	swait.ge [sflag:s10], $0x4000  }
0x1c7: {  	[sflag:s10] =	ssyncset.done $0x0  }
0x1c8: {  	[sflag:s10] =	ssyncadd.s32 $0xFFFFC000  }
0x1c9: {  	[tilespmem:s2], [sflag:$0x1] =	stream.strided.gather [hbm4b:s24+s5], $0x4000, s6, s5, $0x38;
	[tilespmem:$0x8000] =	vst v63  }
0x1ca: {  	_ = 	snop  }
0x1cb: {  	[hbm4b:s25+s5] =	stream.strided.scatter [tilespmem:s8], [sflag:$0x4], $0x4000, s6, s5, $0x38;
	[tilespmem:$0x8000] =	vst v63  }
0x1cc: {  	_ =	swait.ge [sflag:s7], $0x4000  }
0x1cd: {  	[sflag:s7] =	ssyncset.done $0x0  }
0x1ce: {  	[sflag:s7] =	ssyncadd.s32 $0xFFFFC000  }
0x1cf: {  	_ =	swait.ge [sflag:s11], $0x4000  }
0x1d0: {  	[sflag:s11] =	ssyncset.done $0x0  }
0x1d1: {  	[sflag:s11] =	ssyncadd.s32 $0xFFFFC000  }
0x1d2: {  	[tilespmem:s8], [sflag:$0x2] =	stream.strided.gather [hbm4b:s26+s5], $0x4000, s6, s5, $0x38;
	[tilespmem:$0x8000] =	vst v63  }
0x1d3: {  	_ = 	snop  }
0x1d4: {  	[hbm4b:s28+s5] =	stream.strided.scatter [tilespmem:s2], [sflag:$0x3], $0x4000, s6, s5, $0x38;
	[tilespmem:$0x8000] =	vst v63  }
0x1d5: {  	_ =	swait.ge [sflag:s9], $0x4000  }
0x1d6: {  	[sflag:s9] =	ssyncset.done $0x0  }
0x1d7: {  	[sflag:s9] =	ssyncadd.s32 $0xFFFFC000  }
0x1d8: {  	_ =	swait.ge [sflag:s10], $0x4000  }
0x1d9: {  	[sflag:s10] =	ssyncset.done $0x0  }
0x1da: {  	[sflag:s10] =	ssyncadd.s32 $0xFFFFC000  }
0x1db: {  	[tilespmem:s2], [sflag:$0x1] =	stream.strided.gather [hbm4b:s29+s5], $0x4000, s6, s5, $0x38;
	[tilespmem:$0x8000] =	vst v63  }
0x1dc: {  	_ = 	snop  }
0x1dd: {  	[hbm4b:s30+s5] =	stream.strided.scatter [tilespmem:s8], [sflag:$0x4], $0x4000, s6, s5, $0x38;
	[tilespmem:$0x8000] =	vst v63  }
0x1de: {  	_ =	swait.ge [sflag:s7], $0x4000  }
0x1df: {  	[sflag:s7] =	ssyncset.done $0x0  }
0x1e0: {  	p0 =	sne.s32 s1, $0x1;
	[sflag:s7] =	ssyncadd.s32 $0xFFFFC000  }
0x1e1: {  	[hbm4b:s31+s5] =	stream.strided.scatter [tilespmem:s2], [sflag:$0x3], $0x4000, s6, s5, $0x38;
	[tilespmem:$0x8000] =	vst v63  }
.Ltmp1:
0x1e2: {  	_ =	swait.ge [sflag:s11], $0x4000;
	(pc) =	sbr.rel @p0 .LBB2_2-.Ltmp1, $4  }
0x1e3: {  	[sflag:s11] =	ssyncset.done $0x0  }
0x1e4: {  	[sflag:s11] =	ssyncadd.s32 $0xFFFFC000  }
0x1e5: {  	_ =	swait.ge [sflag:s10], $0x4000  }
0x1e6: {  	s1 =	sadd.s32 $0xFFFFFFFF, s1;
	[sflag:s10] =	ssyncset.done $0x0  }
.LBB2_3:
0x1e7: {  	[sflag:s10] =	ssyncadd.s32 $0xFFFFC000  }
0x1e8: {  	_ =	sfence.sel $0x180000  }
0x1e9: {  	[bflag:$0x0] =	sbarrier.arrive $0xFFFF  }
0x1ea: {  	_ =	strace $0x90000047  }
0x1eb: {  	s0 =	stileid.u32;
	[bflag:$0x2] =	sbarrier.arrive $0xFFFF  }
0x1ec: {  	p0 =	sne.s32 s0, $0x0;
	s0 =	rddreg [dreg:$0x2]  }
0x1ed: {  	s0 =	sadd.s32 @!p0 $0x100000, s0  }
0x1ee: {  	[sflag:s0] =	ssyncadd.tile.s32 @!p0 $0x1;
	_ =	shalt  }
.Lfunc_end2:
_tile_overlayer_lowered:
.L_overlay_start_2:
0x1ef: {  	(tag) =	ssettag $0x2  }
0x1f0: {  	s0 =	rddreg [dreg:$0x0];
	s2 =	stileid.u32  }
0x1f1: {  	s1 =	rddreg [dreg:$0x1];
	p0 =	sne.s32 s2, $0x0  }
0x1f2: {  	s3 =	rddreg [dreg:$0x2];
	[bflag:$0x3] =	sbarrier.arrive $0xFFFF;
	s2 =	simm.s32 @!p0 $0x1C05  }
0x1f3: {  	[timem:s3], [sflag:s2] =	dma.local @!p0 [hbm:s0], s1  }
0x1f4: {  	s0 =	simm.s32 @!p0 $0x5  }
0x1f5: {  	_ =	swait.ge @!p0 [sflag:s0], s1  }
0x1f6: {  	s1 =	ssub.s32 @!p0 $0x0, s1;
	[sflag:s0] =	ssyncset.done @!p0 $0x0  }
0x1f7: {  	[sflag:s0] =	ssyncadd.s32 @!p0 s1  }
0x1f8: {  	[bflag:$0x3] =	sbarrier.arrive $0xFFFF  }
0x1f9: {  	_ =	shalt  }

</sc_bundles>
